<compile_context>
chip_gen: v7x
topology: tpu7x:2x2x1
jax: 0.10.2.dev20260603
libtpu: 0.0.44.dev20260713+nightly
codegen_flags: <defaults>
</compile_context>

<pallas_src>
import functools

import jax
import jax.numpy as jnp
from jax import lax
from jax.experimental import pallas as pl
from jax.experimental.pallas import tpu as pltpu
from jax.experimental.pallas import tpu_sc as plsc

_NC = 2
_NS = 16

_B1 = 20


def _sc_gather(hours_flat, pe, b_start, b2, T, F):
    mesh = plsc.VectorSubcoreMesh(
        core_axis_name="c", subcore_axis_name="s", num_cores=_NC, num_subcores=_NS
    )

    @functools.partial(
        pl.kernel,
        out_type=jax.ShapeDtypeStruct((b2 * T, F), jnp.float32),
        mesh=mesh,
        scratch_types=[
            pltpu.VMEM((T,), jnp.int32),
            pltpu.VMEM((T, F), jnp.float32),
            pltpu.SemaphoreType.DMA,
        ],
        compiler_params=pltpu.CompilerParams(use_tc_tiling_on_sc=False),
    )
    def gather_kernel(hours_hbm, pe_hbm, pos_hbm, idx_v, rows_v, sem):
        wid = lax.axis_index("s") * _NC + lax.axis_index("c")

        @pl.when(wid < b2)
        def _():
            pltpu.sync_copy(hours_hbm.at[pl.ds((b_start + wid) * T, T)], idx_v)
            pltpu.async_copy(pe_hbm.at[idx_v], rows_v, sem).wait()
            pltpu.sync_copy(rows_v, pos_hbm.at[pl.ds(wid * T, T)])

    return gather_kernel(hours_flat, pe)


def _tc_broadcast_a(hours_t, pe, B, N, T, F, b1):
    V = pe.shape[0]

    def body(hours_smem, pe_ref, out_ref):
        b = pl.program_id(0)
        for t in range(T):
            row = pe_ref[hours_smem[t, b], :]
            out_ref[0, t] = jnp.broadcast_to(row[:, None], (F, N))

    grid_spec = pltpu.PrefetchScalarGridSpec(
        num_scalar_prefetch=1,
        grid=(b1,),
        in_specs=[pl.BlockSpec((V, F), lambda b, hrs: (0, 0))],
        out_specs=pl.BlockSpec((1, T, F, N), lambda b, hrs: (b, 0, 0, 0)),
    )
    return pl.pallas_call(
        body,
        grid_spec=grid_spec,
        out_shape=jax.ShapeDtypeStruct((B, T, F, N), jnp.float32),
    )(hours_t, pe)


def _tc_broadcast_b(pos_flat, out_a, B, N, T, F, b_start, b2):

    def body(pos_ref, out_alias_ref, out_ref):
        i = pl.program_id(0)
        for t2 in range(T // 2):
            pair = pos_ref[pl.ds(i * T * F + t2 * 2 * F, 2 * F)]
            out_ref[0, 2 * t2] = jnp.broadcast_to(pair[:F, None], (F, N))
            out_ref[0, 2 * t2 + 1] = jnp.broadcast_to(pair[F:, None], (F, N))

    return pl.pallas_call(
        body,
        grid=(b2,),
        in_specs=[
            pl.BlockSpec((b2 * T * F,), lambda i: (0,)),
            pl.BlockSpec(memory_space=pltpu.MemorySpace.HBM),
        ],
        out_specs=pl.BlockSpec((1, T, F, N), lambda i: (b_start + i, 0, 0, 0)),
        out_shape=jax.ShapeDtypeStruct((B, T, F, N), jnp.float32),
        input_output_aliases={1: 0},
    )(pos_flat, out_a)


def kernel(x, hours, pe):
    B, N, T, F = x.shape
    hours = hours.astype(jnp.int32)
    b1 = min(_B1, B)
    b2 = B - b1
    if b2 == 0:
        out_t = _tc_broadcast_a(jnp.transpose(hours), pe, B, N, T, F, b1)
        return jnp.transpose(out_t, (0, 3, 1, 2))
    pos = _sc_gather(hours.reshape(B * T), pe, b1, b2, T, F)
    out_a = _tc_broadcast_a(jnp.transpose(hours), pe, B, N, T, F, b1)
    out_t = _tc_broadcast_b(pos.reshape(b2 * T * F), out_a, B, N, T, F, b1, b2)
    return jnp.transpose(out_t, (0, 3, 1, 2))

# --- scband reference (transcript-rebuilt; emitter-appended) ---
"""Pipeline reference for scband-temporal-hour-encoding-42863773614334 (READ-ONLY COPY).

The authoritative reference and input builder live on the scoring server;
editing this copy changes nothing except your own understanding.
"""

import jax, jax.numpy as jnp
import numpy as np
import math


def _build_pe(max_len, feature_dim):
    pe = np.zeros((max_len, feature_dim), dtype=np.float32)
    position = np.arange(0, max_len, dtype=np.float32)[:, None]
    div_term = np.exp(np.arange(0, feature_dim, 2, dtype=np.float32) * (-math.log(10000.0) / feature_dim))
    pe[:, 0::2] = np.sin(position * div_term)
    pe[:, 1::2] = np.cos(position * div_term)
    return jnp.asarray(pe)


def setup_inputs(seed: int = 0):
    key = jax.random.key(seed)
    k1, k2 = jax.random.split(key)
    x = jax.random.normal(k1, (32, 500, 24, 64), dtype=jnp.float32)
    hours = jax.random.randint(k2, (32, 24), 0, 24).astype(jnp.int64)
    pe = _build_pe(100, 64)  # buffer, shape [max_len, feature_dim] (squeezed vs torch's [1,1,max_len,F])
    return {"x": x, "hours": hours, "pe": pe}


def reference(x, hours, pe):
    # Faithful to torch: position_encoded = pe[0,0,hours].unsqueeze(1).expand(B, N, T, F)
    B, N, T, F = x.shape
    hours = hours.astype(jnp.int32)
    pos = jnp.take(pe, hours, axis=0)          # [B, T, F] gather from pe table
    pos = pos[:, None, :, :]                    # [B, 1, T, F]
    return jnp.broadcast_to(pos, (B, N, T, F))  # [B, N, T, F]

if __name__ == "__main__":
    import jax
    _d = setup_inputs()
    print(jax.jit(kernel)(*tuple(_d.values())))

</pallas_src>

<mosaic_0001>
#map = affine_map<(d0, d1) -> (0)>
#map1 = affine_map<(d0, d1) -> (0, 0)>
module attributes {stable_mosaic.version = 14 : i64} {
  func.func @gather_kernel(%arg0: i32, %arg1: i32, %arg2: memref<768xi32, #tpu.memory_space<hbm>>, %arg3: memref<100x64xf32, #tpu.memory_space<hbm>>, %arg4: memref<288x64xf32, #tpu.memory_space<hbm>>, %arg5: memref<24xi32, #tpu.memory_space<vmem>>, %arg6: memref<24x64xf32, #tpu.memory_space<vmem>>, %arg7: memref<!tpu.dma_semaphore, #tpu.memory_space<semaphore_mem>>) attributes {dimension_semantics = [#tpu.dimension_semantics<core_parallel>, #tpu.dimension_semantics<subcore_parallel>], iteration_bounds = array<i64: 2, 16>, scalar_prefetch = 0 : i64, scratch_operands = 3 : i64, tpu.core_type = #tpu.core_type<sc_vector_subcore>, window_params = [{transform_indices = #map}, {transform_indices = #map1}, {transform_indices = #map1}]} {
    %mul3A = arith.constant 2 : i32
    %mul3A_0 = arith.muli %arg1, %mul3A : i32
    %add3A = arith.addi %mul3A_0, %arg0 : i32
    %lt3A = arith.constant 12 : i32
    %lt3A_1 = arith.cmpi slt, %add3A, %lt3A : i32
    %convert_element_type3A = arith.extui %lt3A_1 : i1 to i32
    %cond3A = arith.constant 0 : i32
    %cond3A_2 = arith.cmpi ne, %convert_element_type3A, %cond3A : i32
    scf.if %cond3A_2 {
      %add3A_3 = arith.constant 20 : i32
      %add3A_4 = arith.addi %add3A_3, %add3A : i32
      %mul3A_5 = arith.constant 24 : i32
      %mul3A_6 = arith.muli %add3A_4, %mul3A_5 : i32
      "tpu.region"() ({
        %run_scoped3A = tpu.sem_alloc : memref<!tpu.dma_semaphore, #tpu.memory_space<semaphore_mem>>
        %dma_start3A_13 = tpu.memref_slice %arg2[%mul3A_6] : memref<768xi32, #tpu.memory_space<hbm>> -> memref<24xi32, #tpu.memory_space<hbm>>
        %dma_start3A_14 = tpu.memref_slice %arg2[%mul3A_6] : memref<768xi32, #tpu.memory_space<hbm>> -> memref<24xi32, #tpu.memory_space<hbm>>
        tpu.enqueue_dma source(%dma_start3A_14 : memref<24xi32, #tpu.memory_space<hbm>>) target(%arg5 : memref<24xi32, #tpu.memory_space<vmem>>) target_semaphore(%run_scoped3A : memref<!tpu.dma_semaphore, #tpu.memory_space<semaphore_mem>>)
        %dma_wait3A_15 = tpu.memref_slice %arg2[%mul3A_6] : memref<768xi32, #tpu.memory_space<hbm>> -> memref<24xi32, #tpu.memory_space<hbm>>
        %dma_wait3A_16 = tpu.memref_slice %arg2[%mul3A_6] : memref<768xi32, #tpu.memory_space<hbm>> -> memref<24xi32, #tpu.memory_space<hbm>>
        tpu.wait_dma2 semaphore(%run_scoped3A : memref<!tpu.dma_semaphore, #tpu.memory_space<semaphore_mem>>) src(%dma_wait3A_16 : memref<24xi32, #tpu.memory_space<hbm>>) dst(%arg5 : memref<24xi32, #tpu.memory_space<vmem>>)
        tpu.yield
      }) : () -> ()
      %dma_start3A = arith.constant 0 : i32
      %dma_start3A_7 = arith.constant 0 : i32
      %dma_start3A_8 = tpu.memref_slice %arg3[%dma_start3A, %dma_start3A_7] : memref<100x64xf32, #tpu.memory_space<hbm>> -> memref<100x64xf32, #tpu.memory_space<hbm>>
      tpu.enqueue_indirect_dma source(%dma_start3A_8 : memref<100x64xf32, #tpu.memory_space<hbm>>) target(%arg6 : memref<24x64xf32, #tpu.memory_space<vmem>>) offsets(%arg5 : memref<24xi32, #tpu.memory_space<vmem>>) semaphore(%arg7 : memref<!tpu.dma_semaphore, #tpu.memory_space<semaphore_mem>>)
      %dma_wait3A = arith.constant 0 : i32
      %dma_wait3A_9 = arith.constant 0 : i32
      %dma_wait3A_10 = tpu.memref_slice %arg3[%dma_wait3A, %dma_wait3A_9] : memref<100x64xf32, #tpu.memory_space<hbm>> -> memref<100x64xf32, #tpu.memory_space<hbm>>
      tpu.wait_indirect_dma semaphore(%arg7 : memref<!tpu.dma_semaphore, #tpu.memory_space<semaphore_mem>>) src(%dma_wait3A_10 : memref<100x64xf32, #tpu.memory_space<hbm>>) dst(%arg6 : memref<24x64xf32, #tpu.memory_space<vmem>>)
      %mul3A_11 = arith.constant 24 : i32
      %mul3A_12 = arith.muli %add3A, %mul3A_11 : i32
      "tpu.region"() ({
        %run_scoped3A = tpu.sem_alloc : memref<!tpu.dma_semaphore, #tpu.memory_space<semaphore_mem>>
        %dma_start3A_13 = arith.constant 0 : i32
        %dma_start3A_14 = tpu.memref_slice %arg4[%mul3A_12, %dma_start3A_13] : memref<288x64xf32, #tpu.memory_space<hbm>> -> memref<24x64xf32, #tpu.memory_space<hbm>>
        %dma_start3A_15 = arith.constant 0 : i32
        %dma_start3A_16 = tpu.memref_slice %arg4[%mul3A_12, %dma_start3A_15] : memref<288x64xf32, #tpu.memory_space<hbm>> -> memref<24x64xf32, #tpu.memory_space<hbm>>
        tpu.enqueue_dma source(%arg6 : memref<24x64xf32, #tpu.memory_space<vmem>>) target(%dma_start3A_16 : memref<24x64xf32, #tpu.memory_space<hbm>>) target_semaphore(%run_scoped3A : memref<!tpu.dma_semaphore, #tpu.memory_space<semaphore_mem>>)
        %dma_wait3A_17 = arith.constant 0 : i32
        %dma_wait3A_18 = tpu.memref_slice %arg4[%mul3A_12, %dma_wait3A_17] : memref<288x64xf32, #tpu.memory_space<hbm>> -> memref<24x64xf32, #tpu.memory_space<hbm>>
        %dma_wait3A_19 = arith.constant 0 : i32
        %dma_wait3A_20 = tpu.memref_slice %arg4[%mul3A_12, %dma_wait3A_19] : memref<288x64xf32, #tpu.memory_space<hbm>> -> memref<24x64xf32, #tpu.memory_space<hbm>>
        tpu.wait_dma2 semaphore(%run_scoped3A : memref<!tpu.dma_semaphore, #tpu.memory_space<semaphore_mem>>) src(%arg6 : memref<24x64xf32, #tpu.memory_space<vmem>>) dst(%dma_wait3A_20 : memref<24x64xf32, #tpu.memory_space<hbm>>)
        tpu.yield
      }) : () -> ()
    } else {
    }
    return
  }
}

module attributes {stable_mosaic.version = 14 : i64} {
  func.func @body(%arg0: i32, %arg1: memref<24x32xi32, #tpu.memory_space<smem>>, %arg2: memref<100x64xf32, #tpu.memory_space<vmem>>, %arg3: memref<1x24x64x500xf32, #tpu.memory_space<vmem>>) attributes {dimension_semantics = [#tpu.dimension_semantics<arbitrary>], iteration_bounds = array<i64: 20>, scalar_prefetch = 1 : i64, scratch_operands = 0 : i64, tpu.core_type = #tpu.core_type<tc>, window_params = [{pipeline_mode = #tpu.pipeline_mode<synchronous>, transform_indices = @transform_0, window_bounds = array<i64: 100, 64>}, {transform_indices = @transform_1, window_bounds = array<i64: 1, 24, 64, 500>}]} {
    %get3A = arith.constant 0 : index
    %get3A_0 = arith.index_cast %arg0 : i32 to index
    %get3A_1 = memref.load %arg1[%get3A, %get3A_0] : memref<24x32xi32, #tpu.memory_space<smem>>
    %get3A_2 = arith.index_cast %get3A_1 : i32 to index
    %get3A_3 = arith.constant 0 : index
    %get3A_4 = vector.load %arg2[%get3A_2, %get3A_3] : memref<100x64xf32, #tpu.memory_space<vmem>>, vector<1x64xf32>
    %get3A_5 = vector.shape_cast %get3A_4 : vector<1x64xf32> to vector<64xf32>
    %broadcast_in_dim3A = vector.shape_cast %get3A_5 : vector<64xf32> to vector<64x1xf32>
    %broadcast_in_dim3A_6 = vector.shape_cast %broadcast_in_dim3A : vector<64x1xf32> to vector<64x1xf32>
    %broadcast_in_dim3A_7 = vector.broadcast %broadcast_in_dim3A_6 : vector<64x1xf32> to vector<64x500xf32>
    %swap3A = arith.constant 0 : index
    %swap3A_8 = arith.constant 0 : index
    %swap3A_9 = arith.constant 0 : index
    %swap3A_10 = arith.constant 0 : index
    %swap3A_11 = vector.load %arg3[%swap3A, %swap3A_8, %swap3A_9, %swap3A_10] : memref<1x24x64x500xf32, #tpu.memory_space<vmem>>, vector<1x1x64x500xf32>
    %swap3A_12 = vector.shape_cast %swap3A_11 : vector<1x1x64x500xf32> to vector<64x500xf32>
    %swap3A_13 = vector.shape_cast %broadcast_in_dim3A_7 : vector<64x500xf32> to vector<1x1x64x500xf32>
    tpu.vector_store %arg3[%swap3A, %swap3A_8, %swap3A_9, %swap3A_10], %swap3A_13 {strides = array<i32>} : memref<1x24x64x500xf32, #tpu.memory_space<vmem>>, vector<1x1x64x500xf32>,
    %get3A_14 = arith.constant 1 : index
    %get3A_15 = arith.index_cast %arg0 : i32 to index
    %get3A_16 = memref.load %arg1[%get3A_14, %get3A_15] : memref<24x32xi32, #tpu.memory_space<smem>>
    %get3A_17 = arith.index_cast %get3A_16 : i32 to index
    %get3A_18 = arith.constant 0 : index
    %get3A_19 = vector.load %arg2[%get3A_17, %get3A_18] : memref<100x64xf32, #tpu.memory_space<vmem>>, vector<1x64xf32>
    %get3A_20 = vector.shape_cast %get3A_19 : vector<1x64xf32> to vector<64xf32>
    %broadcast_in_dim3A_21 = vector.shape_cast %get3A_20 : vector<64xf32> to vector<64x1xf32>
    %broadcast_in_dim3A_22 = vector.shape_cast %broadcast_in_dim3A_21 : vector<64x1xf32> to vector<64x1xf32>
    %broadcast_in_dim3A_23 = vector.broadcast %broadcast_in_dim3A_22 : vector<64x1xf32> to vector<64x500xf32>
    %swap3A_24 = arith.constant 0 : index
    %swap3A_25 = arith.constant 1 : index
    %swap3A_26 = arith.constant 0 : index
    %swap3A_27 = arith.constant 0 : index
    %swap3A_28 = vector.load %arg3[%swap3A_24, %swap3A_25, %swap3A_26, %swap3A_27] : memref<1x24x64x500xf32, #tpu.memory_space<vmem>>, vector<1x1x64x500xf32>
    %swap3A_29 = vector.shape_cast %swap3A_28 : vector<1x1x64x500xf32> to vector<64x500xf32>
    %swap3A_30 = vector.shape_cast %broadcast_in_dim3A_23 : vector<64x500xf32> to vector<1x1x64x500xf32>
    tpu.vector_store %arg3[%swap3A_24, %swap3A_25, %swap3A_26, %swap3A_27], %swap3A_30 {strides = array<i32>} : memref<1x24x64x500xf32, #tpu.memory_space<vmem>>, vector<1x1x64x500xf32>,
    %get3A_31 = arith.constant 2 : index
    %get3A_32 = arith.index_cast %arg0 : i32 to index
    %get3A_33 = memref.load %arg1[%get3A_31, %get3A_32] : memref<24x32xi32, #tpu.memory_space<smem>>
    %get3A_34 = arith.index_cast %get3A_33 : i32 to index
    %get3A_35 = arith.constant 0 : index
    %get3A_36 = vector.load %arg2[%get3A_34, %get3A_35] : memref<100x64xf32, #tpu.memory_space<vmem>>, vector<1x64xf32>
    %get3A_37 = vector.shape_cast %get3A_36 : vector<1x64xf32> to vector<64xf32>
    %broadcast_in_dim3A_38 = vector.shape_cast %get3A_37 : vector<64xf32> to vector<64x1xf32>
    %broadcast_in_dim3A_39 = vector.shape_cast %broadcast_in_dim3A_38 : vector<64x1xf32> to vector<64x1xf32>
    %broadcast_in_dim3A_40 = vector.broadcast %broadcast_in_dim3A_39 : vector<64x1xf32> to vector<64x500xf32>
    %swap3A_41 = arith.constant 0 : index
    %swap3A_42 = arith.constant 2 : index
    %swap3A_43 = arith.constant 0 : index
    %swap3A_44 = arith.constant 0 : index
    %swap3A_45 = vector.load %arg3[%swap3A_41, %swap3A_42, %swap3A_43, %swap3A_44] : memref<1x24x64x500xf32, #tpu.memory_space<vmem>>, vector<1x1x64x500xf32>
    %swap3A_46 = vector.shape_cast %swap3A_45 : vector<1x1x64x500xf32> to vector<64x500xf32>
    %swap3A_47 = vector.shape_cast %broadcast_in_dim3A_40 : vector<64x500xf32> to vector<1x1x64x500xf32>
    tpu.vector_store %arg3[%swap3A_41, %swap3A_42, %swap3A_43, %swap3A_44], %swap3A_47 {strides = array<i32>} : memref<1x24x64x500xf32, #tpu.memory_space<vmem>>, vector<1x1x64x500xf32>,
    %get3A_48 = arith.constant 3 : index
    %get3A_49 = arith.index_cast %arg0 : i32 to index
    %get3A_50 = memref.load %arg1[%get3A_48, %get3A_49] : memref<24x32xi32, #tpu.memory_space<smem>>
    %get3A_51 = arith.index_cast %get3A_50 : i32 to index
    %get3A_52 = arith.constant 0 : index
    %get3A_53 = vector.load %arg2[%get3A_51, %get3A_52] : memref<100x64xf32, #tpu.memory_space<vmem>>, vector<1x64xf32>
    %get3A_54 = vector.shape_cast %get3A_53 : vector<1x64xf32> to vector<64xf32>
    %broadcast_in_dim3A_55 = vector.shape_cast %get3A_54 : vector<64xf32> to vector<64x1xf32>
    %broadcast_in_dim3A_56 = vector.shape_cast %broadcast_in_dim3A_55 : vector<64x1xf32> to vector<64x1xf32>
    %broadcast_in_dim3A_57 = vector.broadcast %broadcast_in_dim3A_56 : vector<64x1xf32> to vector<64x500xf32>
    %swap3A_58 = arith.constant 0 : index
    %swap3A_59 = arith.constant 3 : index
    %swap3A_60 = arith.constant 0 : index
    %swap3A_61 = arith.constant 0 : index
    %swap3A_62 = vector.load %arg3[%swap3A_58, %swap3A_59, %swap3A_60, %swap3A_61] : memref<1x24x64x500xf32, #tpu.memory_space<vmem>>, vector<1x1x64x500xf32>
    %swap3A_63 = vector.shape_cast %swap3A_62 : vector<1x1x64x500xf32> to vector<64x500xf32>
    %swap3A_64 = vector.shape_cast %broadcast_in_dim3A_57 : vector<64x500xf32> to vector<1x1x64x500xf32>
    tpu.vector_store %arg3[%swap3A_58, %swap3A_59, %swap3A_60, %swap3A_61], %swap3A_64 {strides = array<i32>} : memref<1x24x64x500xf32, #tpu.memory_space<vmem>>, vector<1x1x64x500xf32>,
    %get3A_65 = arith.constant 4 : index
    %get3A_66 = arith.index_cast %arg0 : i32 to index
    %get3A_67 = memref.load %arg1[%get3A_65, %get3A_66] : memref<24x32xi32, #tpu.memory_space<smem>>
    %get3A_68 = arith.index_cast %get3A_67 : i32 to index
    %get3A_69 = arith.constant 0 : index
    %get3A_70 = vector.load %arg2[%get3A_68, %get3A_69] : memref<100x64xf32, #tpu.memory_space<vmem>>, vector<1x64xf32>
    %get3A_71 = vector.shape_cast %get3A_70 : vector<1x64xf32> to vector<64xf32>
    %broadcast_in_dim3A_72 = vector.shape_cast %get3A_71 : vector<64xf32> to vector<64x1xf32>
    %broadcast_in_dim3A_73 = vector.shape_cast %broadcast_in_dim3A_72 : vector<64x1xf32> to vector<64x1xf32>
    %broadcast_in_dim3A_74 = vector.broadcast %broadcast_in_dim3A_73 : vector<64x1xf32> to vector<64x500xf32>
    %swap3A_75 = arith.constant 0 : index
    %swap3A_76 = arith.constant 4 : index
    %swap3A_77 = arith.constant 0 : index
    %swap3A_78 = arith.constant 0 : index
    %swap3A_79 = vector.load %arg3[%swap3A_75, %swap3A_76, %swap3A_77, %swap3A_78] : memref<1x24x64x500xf32, #tpu.memory_space<vmem>>, vector<1x1x64x500xf32>
    %swap3A_80 = vector.shape_cast %swap3A_79 : vector<1x1x64x500xf32> to vector<64x500xf32>
    %swap3A_81 = vector.shape_cast %broadcast_in_dim3A_74 : vector<64x500xf32> to vector<1x1x64x500xf32>
    tpu.vector_store %arg3[%swap3A_75, %swap3A_76, %swap3A_77, %swap3A_78], %swap3A_81 {strides = array<i32>} : memref<1x24x64x500xf32, #tpu.memory_space<vmem>>, vector<1x1x64x500xf32>,
    %get3A_82 = arith.constant 5 : index
    %get3A_83 = arith.index_cast %arg0 : i32 to index
    %get3A_84 = memref.load %arg1[%get3A_82, %get3A_83] : memref<24x32xi32, #tpu.memory_space<smem>>
    %get3A_85 = arith.index_cast %get3A_84 : i32 to index
    %get3A_86 = arith.constant 0 : index
    %get3A_87 = vector.load %arg2[%get3A_85, %get3A_86] : memref<100x64xf32, #tpu.memory_space<vmem>>, vector<1x64xf32>
    %get3A_88 = vector.shape_cast %get3A_87 : vector<1x64xf32> to vector<64xf32>
    %broadcast_in_dim3A_89 = vector.shape_cast %get3A_88 : vector<64xf32> to vector<64x1xf32>
    %broadcast_in_dim3A_90 = vector.shape_cast %broadcast_in_dim3A_89 : vector<64x1xf32> to vector<64x1xf32>
    %broadcast_in_dim3A_91 = vector.broadcast %broadcast_in_dim3A_90 : vector<64x1xf32> to vector<64x500xf32>
    %swap3A_92 = arith.constant 0 : index
    %swap3A_93 = arith.constant 5 : index
    %swap3A_94 = arith.constant 0 : index
    %swap3A_95 = arith.constant 0 : index
    %swap3A_96 = vector.load %arg3[%swap3A_92, %swap3A_93, %swap3A_94, %swap3A_95] : memref<1x24x64x500xf32, #tpu.memory_space<vmem>>, vector<1x1x64x500xf32>
    %swap3A_97 = vector.shape_cast %swap3A_96 : vector<1x1x64x500xf32> to vector<64x500xf32>
    %swap3A_98 = vector.shape_cast %broadcast_in_dim3A_91 : vector<64x500xf32> to vector<1x1x64x500xf32>
    tpu.vector_store %arg3[%swap3A_92, %swap3A_93, %swap3A_94, %swap3A_95], %swap3A_98 {strides = array<i32>} : memref<1x24x64x500xf32, #tpu.memory_space<vmem>>, vector<1x1x64x500xf32>,
    %get3A_99 = arith.constant 6 : index
    %get3A_100 = arith.index_cast %arg0 : i32 to index
    %get3A_101 = memref.load %arg1[%get3A_99, %get3A_100] : memref<24x32xi32, #tpu.memory_space<smem>>
    %get3A_102 = arith.index_cast %get3A_101 : i32 to index
    %get3A_103 = arith.constant 0 : index
    %get3A_104 = vector.load %arg2[%get3A_102, %get3A_103] : memref<100x64xf32, #tpu.memory_space<vmem>>, vector<1x64xf32>
    %get3A_105 = vector.shape_cast %get3A_104 : vector<1x64xf32> to vector<64xf32>
    %broadcast_in_dim3A_106 = vector.shape_cast %get3A_105 : vector<64xf32> to vector<64x1xf32>
    %broadcast_in_dim3A_107 = vector.shape_cast %broadcast_in_dim3A_106 : vector<64x1xf32> to vector<64x1xf32>
    %broadcast_in_dim3A_108 = vector.broadcast %broadcast_in_dim3A_107 : vector<64x1xf32> to vector<64x500xf32>
    %swap3A_109 = arith.constant 0 : index
    %swap3A_110 = arith.constant 6 : index
    %swap3A_111 = arith.constant 0 : index
    %swap3A_112 = arith.constant 0 : index
    %swap3A_113 = vector.load %arg3[%swap3A_109, %swap3A_110, %swap3A_111, %swap3A_112] : memref<1x24x64x500xf32, #tpu.memory_space<vmem>>, vector<1x1x64x500xf32>
    %swap3A_114 = vector.shape_cast %swap3A_113 : vector<1x1x64x500xf32> to vector<64x500xf32>
    %swap3A_115 = vector.shape_cast %broadcast_in_dim3A_108 : vector<64x500xf32> to vector<1x1x64x500xf32>
    tpu.vector_store %arg3[%swap3A_109, %swap3A_110, %swap3A_111, %swap3A_112], %swap3A_115 {strides = array<i32>} : memref<1x24x64x500xf32, #tpu.memory_space<vmem>>, vector<1x1x64x500xf32>,
    %get3A_116 = arith.constant 7 : index
    %get3A_117 = arith.index_cast %arg0 : i32 to index
    %get3A_118 = memref.load %arg1[%get3A_116, %get3A_117] : memref<24x32xi32, #tpu.memory_space<smem>>
    %get3A_119 = arith.index_cast %get3A_118 : i32 to index
    %get3A_120 = arith.constant 0 : index
    %get3A_121 = vector.load %arg2[%get3A_119, %get3A_120] : memref<100x64xf32, #tpu.memory_space<vmem>>, vector<1x64xf32>
    %get3A_122 = vector.shape_cast %get3A_121 : vector<1x64xf32> to vector<64xf32>
    %broadcast_in_dim3A_123 = vector.shape_cast %get3A_122 : vector<64xf32> to vector<64x1xf32>
    %broadcast_in_dim3A_124 = vector.shape_cast %broadcast_in_dim3A_123 : vector<64x1xf32> to vector<64x1xf32>
    %broadcast_in_dim3A_125 = vector.broadcast %broadcast_in_dim3A_124 : vector<64x1xf32> to vector<64x500xf32>
    %swap3A_126 = arith.constant 0 : index
    %swap3A_127 = arith.constant 7 : index
    %swap3A_128 = arith.constant 0 : index
    %swap3A_129 = arith.constant 0 : index
    %swap3A_130 = vector.load %arg3[%swap3A_126, %swap3A_127, %swap3A_128, %swap3A_129] : memref<1x24x64x500xf32, #tpu.memory_space<vmem>>, vector<1x1x64x500xf32>
    %swap3A_131 = vector.shape_cast %swap3A_130 : vector<1x1x64x500xf32> to vector<64x500xf32>
    %swap3A_132 = vector.shape_cast %broadcast_in_dim3A_125 : vector<64x500xf32> to vector<1x1x64x500xf32>
    tpu.vector_store %arg3[%swap3A_126, %swap3A_127, %swap3A_128, %swap3A_129], %swap3A_132 {strides = array<i32>} : memref<1x24x64x500xf32, #tpu.memory_space<vmem>>, vector<1x1x64x500xf32>,
    %get3A_133 = arith.constant 8 : index
    %get3A_134 = arith.index_cast %arg0 : i32 to index
    %get3A_135 = memref.load %arg1[%get3A_133, %get3A_134] : memref<24x32xi32, #tpu.memory_space<smem>>
    %get3A_136 = arith.index_cast %get3A_135 : i32 to index
    %get3A_137 = arith.constant 0 : index
    %get3A_138 = vector.load %arg2[%get3A_136, %get3A_137] : memref<100x64xf32, #tpu.memory_space<vmem>>, vector<1x64xf32>
    %get3A_139 = vector.shape_cast %get3A_138 : vector<1x64xf32> to vector<64xf32>
    %broadcast_in_dim3A_140 = vector.shape_cast %get3A_139 : vector<64xf32> to vector<64x1xf32>
    %broadcast_in_dim3A_141 = vector.shape_cast %broadcast_in_dim3A_140 : vector<64x1xf32> to vector<64x1xf32>
    %broadcast_in_dim3A_142 = vector.broadcast %broadcast_in_dim3A_141 : vector<64x1xf32> to vector<64x500xf32>
    %swap3A_143 = arith.constant 0 : index
    %swap3A_144 = arith.constant 8 : index
    %swap3A_145 = arith.constant 0 : index
    %swap3A_146 = arith.constant 0 : index
    %swap3A_147 = vector.load %arg3[%swap3A_143, %swap3A_144, %swap3A_145, %swap3A_146] : memref<1x24x64x500xf32, #tpu.memory_space<vmem>>, vector<1x1x64x500xf32>
    %swap3A_148 = vector.shape_cast %swap3A_147 : vector<1x1x64x500xf32> to vector<64x500xf32>
    %swap3A_149 = vector.shape_cast %broadcast_in_dim3A_142 : vector<64x500xf32> to vector<1x1x64x500xf32>
    tpu.vector_store %arg3[%swap3A_143, %swap3A_144, %swap3A_145, %swap3A_146], %swap3A_149 {strides = array<i32>} : memref<1x24x64x500xf32, #tpu.memory_space<vmem>>, vector<1x1x64x500xf32>,
    %get3A_150 = arith.constant 9 : index
    %get3A_151 = arith.index_cast %arg0 : i32 to index
    %get3A_152 = memref.load %arg1[%get3A_150, %get3A_151] : memref<24x32xi32, #tpu.memory_space<smem>>
    %get3A_153 = arith.index_cast %get3A_152 : i32 to index
    %get3A_154 = arith.constant 0 : index
    %get3A_155 = vector.load %arg2[%get3A_153, %get3A_154] : memref<100x64xf32, #tpu.memory_space<vmem>>, vector<1x64xf32>
    %get3A_156 = vector.shape_cast %get3A_155 : vector<1x64xf32> to vector<64xf32>
    %broadcast_in_dim3A_157 = vector.shape_cast %get3A_156 : vector<64xf32> to vector<64x1xf32>
    %broadcast_in_dim3A_158 = vector.shape_cast %broadcast_in_dim3A_157 : vector<64x1xf32> to vector<64x1xf32>
    %broadcast_in_dim3A_159 = vector.broadcast %broadcast_in_dim3A_158 : vector<64x1xf32> to vector<64x500xf32>
    %swap3A_160 = arith.constant 0 : index
    %swap3A_161 = arith.constant 9 : index
    %swap3A_162 = arith.constant 0 : index
    %swap3A_163 = arith.constant 0 : index
    %swap3A_164 = vector.load %arg3[%swap3A_160, %swap3A_161, %swap3A_162, %swap3A_163] : memref<1x24x64x500xf32, #tpu.memory_space<vmem>>, vector<1x1x64x500xf32>
    %swap3A_165 = vector.shape_cast %swap3A_164 : vector<1x1x64x500xf32> to vector<64x500xf32>
    %swap3A_166 = vector.shape_cast %broadcast_in_dim3A_159 : vector<64x500xf32> to vector<1x1x64x500xf32>
    tpu.vector_store %arg3[%swap3A_160, %swap3A_161, %swap3A_162, %swap3A_163], %swap3A_166 {strides = array<i32>} : memref<1x24x64x500xf32, #tpu.memory_space<vmem>>, vector<1x1x64x500xf32>,
    %get3A_167 = arith.constant 10 : index
    %get3A_168 = arith.index_cast %arg0 : i32 to index
    %get3A_169 = memref.load %arg1[%get3A_167, %get3A_168] : memref<24x32xi32, #tpu.memory_space<smem>>
    %get3A_170 = arith.index_cast %get3A_169 : i32 to index
    %get3A_171 = arith.constant 0 : index
    %get3A_172 = vector.load %arg2[%get3A_170, %get3A_171] : memref<100x64xf32, #tpu.memory_space<vmem>>, vector<1x64xf32>
    %get3A_173 = vector.shape_cast %get3A_172 : vector<1x64xf32> to vector<64xf32>
    %broadcast_in_dim3A_174 = vector.shape_cast %get3A_173 : vector<64xf32> to vector<64x1xf32>
    %broadcast_in_dim3A_175 = vector.shape_cast %broadcast_in_dim3A_174 : vector<64x1xf32> to vector<64x1xf32>
    %broadcast_in_dim3A_176 = vector.broadcast %broadcast_in_dim3A_175 : vector<64x1xf32> to vector<64x500xf32>
    %swap3A_177 = arith.constant 0 : index
    %swap3A_178 = arith.constant 10 : index
    %swap3A_179 = arith.constant 0 : index
    %swap3A_180 = arith.constant 0 : index
    %swap3A_181 = vector.load %arg3[%swap3A_177, %swap3A_178, %swap3A_179, %swap3A_180] : memref<1x24x64x500xf32, #tpu.memory_space<vmem>>, vector<1x1x64x500xf32>
    %swap3A_182 = vector.shape_cast %swap3A_181 : vector<1x1x64x500xf32> to vector<64x500xf32>
    %swap3A_183 = vector.shape_cast %broadcast_in_dim3A_176 : vector<64x500xf32> to vector<1x1x64x500xf32>
    tpu.vector_store %arg3[%swap3A_177, %swap3A_178, %swap3A_179, %swap3A_180], %swap3A_183 {strides = array<i32>} : memref<1x24x64x500xf32, #tpu.memory_space<vmem>>, vector<1x1x64x500xf32>,
    %get3A_184 = arith.constant 11 : index
    %get3A_185 = arith.index_cast %arg0 : i32 to index
    %get3A_186 = memref.load %arg1[%get3A_184, %get3A_185] : memref<24x32xi32, #tpu.memory_space<smem>>
    %get3A_187 = arith.index_cast %get3A_186 : i32 to index
    %get3A_188 = arith.constant 0 : index
    %get3A_189 = vector.load %arg2[%get3A_187, %get3A_188] : memref<100x64xf32, #tpu.memory_space<vmem>>, vector<1x64xf32>
    %get3A_190 = vector.shape_cast %get3A_189 : vector<1x64xf32> to vector<64xf32>
    %broadcast_in_dim3A_191 = vector.shape_cast %get3A_190 : vector<64xf32> to vector<64x1xf32>
    %broadcast_in_dim3A_192 = vector.shape_cast %broadcast_in_dim3A_191 : vector<64x1xf32> to vector<64x1xf32>
    %broadcast_in_dim3A_193 = vector.broadcast %broadcast_in_dim3A_192 : vector<64x1xf32> to vector<64x500xf32>
    %swap3A_194 = arith.constant 0 : index
    %swap3A_195 = arith.constant 11 : index
    %swap3A_196 = arith.constant 0 : index
    %swap3A_197 = arith.constant 0 : index
    %swap3A_198 = vector.load %arg3[%swap3A_194, %swap3A_195, %swap3A_196, %swap3A_197] : memref<1x24x64x500xf32, #tpu.memory_space<vmem>>, vector<1x1x64x500xf32>
    %swap3A_199 = vector.shape_cast %swap3A_198 : vector<1x1x64x500xf32> to vector<64x500xf32>
    %swap3A_200 = vector.shape_cast %broadcast_in_dim3A_193 : vector<64x500xf32> to vector<1x1x64x500xf32>
    tpu.vector_store %arg3[%swap3A_194, %swap3A_195, %swap3A_196, %swap3A_197], %swap3A_200 {strides = array<i32>} : memref<1x24x64x500xf32, #tpu.memory_space<vmem>>, vector<1x1x64x500xf32>,
    %get3A_201 = arith.constant 12 : index
    %get3A_202 = arith.index_cast %arg0 : i32 to index
    %get3A_203 = memref.load %arg1[%get3A_201, %get3A_202] : memref<24x32xi32, #tpu.memory_space<smem>>
    %get3A_204 = arith.index_cast %get3A_203 : i32 to index
    %get3A_205 = arith.constant 0 : index
    %get3A_206 = vector.load %arg2[%get3A_204, %get3A_205] : memref<100x64xf32, #tpu.memory_space<vmem>>, vector<1x64xf32>
    %get3A_207 = vector.shape_cast %get3A_206 : vector<1x64xf32> to vector<64xf32>
    %broadcast_in_dim3A_208 = vector.shape_cast %get3A_207 : vector<64xf32> to vector<64x1xf32>
    %broadcast_in_dim3A_209 = vector.shape_cast %broadcast_in_dim3A_208 : vector<64x1xf32> to vector<64x1xf32>
    %broadcast_in_dim3A_210 = vector.broadcast %broadcast_in_dim3A_209 : vector<64x1xf32> to vector<64x500xf32>
    %swap3A_211 = arith.constant 0 : index
    %swap3A_212 = arith.constant 12 : index
    %swap3A_213 = arith.constant 0 : index
    %swap3A_214 = arith.constant 0 : index
    %swap3A_215 = vector.load %arg3[%swap3A_211, %swap3A_212, %swap3A_213, %swap3A_214] : memref<1x24x64x500xf32, #tpu.memory_space<vmem>>, vector<1x1x64x500xf32>
    %swap3A_216 = vector.shape_cast %swap3A_215 : vector<1x1x64x500xf32> to vector<64x500xf32>
    %swap3A_217 = vector.shape_cast %broadcast_in_dim3A_210 : vector<64x500xf32> to vector<1x1x64x500xf32>
    tpu.vector_store %arg3[%swap3A_211, %swap3A_212, %swap3A_213, %swap3A_214], %swap3A_217 {strides = array<i32>} : memref<1x24x64x500xf32, #tpu.memory_space<vmem>>, vector<1x1x64x500xf32>,
    %get3A_218 = arith.constant 13 : index
    %get3A_219 = arith.index_cast %arg0 : i32 to index
    %get3A_220 = memref.load %arg1[%get3A_218, %get3A_219] : memref<24x32xi32, #tpu.memory_space<smem>>
    %get3A_221 = arith.index_cast %get3A_220 : i32 to index
    %get3A_222 = arith.constant 0 : index
    %get3A_223 = vector.load %arg2[%get3A_221, %get3A_222] : memref<100x64xf32, #tpu.memory_space<vmem>>, vector<1x64xf32>
    %get3A_224 = vector.shape_cast %get3A_223 : vector<1x64xf32> to vector<64xf32>
    %broadcast_in_dim3A_225 = vector.shape_cast %get3A_224 : vector<64xf32> to vector<64x1xf32>
    %broadcast_in_dim3A_226 = vector.shape_cast %broadcast_in_dim3A_225 : vector<64x1xf32> to vector<64x1xf32>
    %broadcast_in_dim3A_227 = vector.broadcast %broadcast_in_dim3A_226 : vector<64x1xf32> to vector<64x500xf32>
    %swap3A_228 = arith.constant 0 : index
    %swap3A_229 = arith.constant 13 : index
    %swap3A_230 = arith.constant 0 : index
    %swap3A_231 = arith.constant 0 : index
    %swap3A_232 = vector.load %arg3[%swap3A_228, %swap3A_229, %swap3A_230, %swap3A_231] : memref<1x24x64x500xf32, #tpu.memory_space<vmem>>, vector<1x1x64x500xf32>
    %swap3A_233 = vector.shape_cast %swap3A_232 : vector<1x1x64x500xf32> to vector<64x500xf32>
    %swap3A_234 = vector.shape_cast %broadcast_in_dim3A_227 : vector<64x500xf32> to vector<1x1x64x500xf32>
    tpu.vector_store %arg3[%swap3A_228, %swap3A_229, %swap3A_230, %swap3A_231], %swap3A_234 {strides = array<i32>} : memref<1x24x64x500xf32, #tpu.memory_space<vmem>>, vector<1x1x64x500xf32>,
    %get3A_235 = arith.constant 14 : index
    %get3A_236 = arith.index_cast %arg0 : i32 to index
    %get3A_237 = memref.load %arg1[%get3A_235, %get3A_236] : memref<24x32xi32, #tpu.memory_space<smem>>
    %get3A_238 = arith.index_cast %get3A_237 : i32 to index
    %get3A_239 = arith.constant 0 : index
    %get3A_240 = vector.load %arg2[%get3A_238, %get3A_239] : memref<100x64xf32, #tpu.memory_space<vmem>>, vector<1x64xf32>
    %get3A_241 = vector.shape_cast %get3A_240 : vector<1x64xf32> to vector<64xf32>
    %broadcast_in_dim3A_242 = vector.shape_cast %get3A_241 : vector<64xf32> to vector<64x1xf32>
    %broadcast_in_dim3A_243 = vector.shape_cast %broadcast_in_dim3A_242 : vector<64x1xf32> to vector<64x1xf32>
    %broadcast_in_dim3A_244 = vector.broadcast %broadcast_in_dim3A_243 : vector<64x1xf32> to vector<64x500xf32>
    %swap3A_245 = arith.constant 0 : index
    %swap3A_246 = arith.constant 14 : index
    %swap3A_247 = arith.constant 0 : index
    %swap3A_248 = arith.constant 0 : index
    %swap3A_249 = vector.load %arg3[%swap3A_245, %swap3A_246, %swap3A_247, %swap3A_248] : memref<1x24x64x500xf32, #tpu.memory_space<vmem>>, vector<1x1x64x500xf32>
    %swap3A_250 = vector.shape_cast %swap3A_249 : vector<1x1x64x500xf32> to vector<64x500xf32>
    %swap3A_251 = vector.shape_cast %broadcast_in_dim3A_244 : vector<64x500xf32> to vector<1x1x64x500xf32>
    tpu.vector_store %arg3[%swap3A_245, %swap3A_246, %swap3A_247, %swap3A_248], %swap3A_251 {strides = array<i32>} : memref<1x24x64x500xf32, #tpu.memory_space<vmem>>, vector<1x1x64x500xf32>,
    %get3A_252 = arith.constant 15 : index
    %get3A_253 = arith.index_cast %arg0 : i32 to index
    %get3A_254 = memref.load %arg1[%get3A_252, %get3A_253] : memref<24x32xi32, #tpu.memory_space<smem>>
    %get3A_255 = arith.index_cast %get3A_254 : i32 to index
    %get3A_256 = arith.constant 0 : index
    %get3A_257 = vector.load %arg2[%get3A_255, %get3A_256] : memref<100x64xf32, #tpu.memory_space<vmem>>, vector<1x64xf32>
    %get3A_258 = vector.shape_cast %get3A_257 : vector<1x64xf32> to vector<64xf32>
    %broadcast_in_dim3A_259 = vector.shape_cast %get3A_258 : vector<64xf32> to vector<64x1xf32>
    %broadcast_in_dim3A_260 = vector.shape_cast %broadcast_in_dim3A_259 : vector<64x1xf32> to vector<64x1xf32>
    %broadcast_in_dim3A_261 = vector.broadcast %broadcast_in_dim3A_260 : vector<64x1xf32> to vector<64x500xf32>
    %swap3A_262 = arith.constant 0 : index
    %swap3A_263 = arith.constant 15 : index
    %swap3A_264 = arith.constant 0 : index
    %swap3A_265 = arith.constant 0 : index
    %swap3A_266 = vector.load %arg3[%swap3A_262, %swap3A_263, %swap3A_264, %swap3A_265] : memref<1x24x64x500xf32, #tpu.memory_space<vmem>>, vector<1x1x64x500xf32>
    %swap3A_267 = vector.shape_cast %swap3A_266 : vector<1x1x64x500xf32> to vector<64x500xf32>
    %swap3A_268 = vector.shape_cast %broadcast_in_dim3A_261 : vector<64x500xf32> to vector<1x1x64x500xf32>
    tpu.vector_store %arg3[%swap3A_262, %swap3A_263, %swap3A_264, %swap3A_265], %swap3A_268 {strides = array<i32>} : memref<1x24x64x500xf32, #tpu.memory_space<vmem>>, vector<1x1x64x500xf32>,
    %get3A_269 = arith.constant 16 : index
    %get3A_270 = arith.index_cast %arg0 : i32 to index
    %get3A_271 = memref.load %arg1[%get3A_269, %get3A_270] : memref<24x32xi32, #tpu.memory_space<smem>>
    %get3A_272 = arith.index_cast %get3A_271 : i32 to index
    %get3A_273 = arith.constant 0 : index
    %get3A_274 = vector.load %arg2[%get3A_272, %get3A_273] : memref<100x64xf32, #tpu.memory_space<vmem>>, vector<1x64xf32>
    %get3A_275 = vector.shape_cast %get3A_274 : vector<1x64xf32> to vector<64xf32>
    %broadcast_in_dim3A_276 = vector.shape_cast %get3A_275 : vector<64xf32> to vector<64x1xf32>
    %broadcast_in_dim3A_277 = vector.shape_cast %broadcast_in_dim3A_276 : vector<64x1xf32> to vector<64x1xf32>
    %broadcast_in_dim3A_278 = vector.broadcast %broadcast_in_dim3A_277 : vector<64x1xf32> to vector<64x500xf32>
    %swap3A_279 = arith.constant 0 : index
    %swap3A_280 = arith.constant 16 : index
    %swap3A_281 = arith.constant 0 : index
    %swap3A_282 = arith.constant 0 : index
    %swap3A_283 = vector.load %arg3[%swap3A_279, %swap3A_280, %swap3A_281, %swap3A_282] : memref<1x24x64x500xf32, #tpu.memory_space<vmem>>, vector<1x1x64x500xf32>
    %swap3A_284 = vector.shape_cast %swap3A_283 : vector<1x1x64x500xf32> to vector<64x500xf32>
    %swap3A_285 = vector.shape_cast %broadcast_in_dim3A_278 : vector<64x500xf32> to vector<1x1x64x500xf32>
    tpu.vector_store %arg3[%swap3A_279, %swap3A_280, %swap3A_281, %swap3A_282], %swap3A_285 {strides = array<i32>} : memref<1x24x64x500xf32, #tpu.memory_space<vmem>>, vector<1x1x64x500xf32>,
    %get3A_286 = arith.constant 17 : index
    %get3A_287 = arith.index_cast %arg0 : i32 to index
    %get3A_288 = memref.load %arg1[%get3A_286, %get3A_287] : memref<24x32xi32, #tpu.memory_space<smem>>
    %get3A_289 = arith.index_cast %get3A_288 : i32 to index
    %get3A_290 = arith.constant 0 : index
    %get3A_291 = vector.load %arg2[%get3A_289, %get3A_290] : memref<100x64xf32, #tpu.memory_space<vmem>>, vector<1x64xf32>
    %get3A_292 = vector.shape_cast %get3A_291 : vector<1x64xf32> to vector<64xf32>
    %broadcast_in_dim3A_293 = vector.shape_cast %get3A_292 : vector<64xf32> to vector<64x1xf32>
    %broadcast_in_dim3A_294 = vector.shape_cast %broadcast_in_dim3A_293 : vector<64x1xf32> to vector<64x1xf32>
    %broadcast_in_dim3A_295 = vector.broadcast %broadcast_in_dim3A_294 : vector<64x1xf32> to vector<64x500xf32>
    %swap3A_296 = arith.constant 0 : index
    %swap3A_297 = arith.constant 17 : index
    %swap3A_298 = arith.constant 0 : index
    %swap3A_299 = arith.constant 0 : index
    %swap3A_300 = vector.load %arg3[%swap3A_296, %swap3A_297, %swap3A_298, %swap3A_299] : memref<1x24x64x500xf32, #tpu.memory_space<vmem>>, vector<1x1x64x500xf32>
    %swap3A_301 = vector.shape_cast %swap3A_300 : vector<1x1x64x500xf32> to vector<64x500xf32>
    %swap3A_302 = vector.shape_cast %broadcast_in_dim3A_295 : vector<64x500xf32> to vector<1x1x64x500xf32>
    tpu.vector_store %arg3[%swap3A_296, %swap3A_297, %swap3A_298, %swap3A_299], %swap3A_302 {strides = array<i32>} : memref<1x24x64x500xf32, #tpu.memory_space<vmem>>, vector<1x1x64x500xf32>,
    %get3A_303 = arith.constant 18 : index
    %get3A_304 = arith.index_cast %arg0 : i32 to index
    %get3A_305 = memref.load %arg1[%get3A_303, %get3A_304] : memref<24x32xi32, #tpu.memory_space<smem>>
    %get3A_306 = arith.index_cast %get3A_305 : i32 to index
    %get3A_307 = arith.constant 0 : index
    %get3A_308 = vector.load %arg2[%get3A_306, %get3A_307] : memref<100x64xf32, #tpu.memory_space<vmem>>, vector<1x64xf32>
    %get3A_309 = vector.shape_cast %get3A_308 : vector<1x64xf32> to vector<64xf32>
    %broadcast_in_dim3A_310 = vector.shape_cast %get3A_309 : vector<64xf32> to vector<64x1xf32>
    %broadcast_in_dim3A_311 = vector.shape_cast %broadcast_in_dim3A_310 : vector<64x1xf32> to vector<64x1xf32>
    %broadcast_in_dim3A_312 = vector.broadcast %broadcast_in_dim3A_311 : vector<64x1xf32> to vector<64x500xf32>
    %swap3A_313 = arith.constant 0 : index
    %swap3A_314 = arith.constant 18 : index
    %swap3A_315 = arith.constant 0 : index
    %swap3A_316 = arith.constant 0 : index
    %swap3A_317 = vector.load %arg3[%swap3A_313, %swap3A_314, %swap3A_315, %swap3A_316] : memref<1x24x64x500xf32, #tpu.memory_space<vmem>>, vector<1x1x64x500xf32>
    %swap3A_318 = vector.shape_cast %swap3A_317 : vector<1x1x64x500xf32> to vector<64x500xf32>
    %swap3A_319 = vector.shape_cast %broadcast_in_dim3A_312 : vector<64x500xf32> to vector<1x1x64x500xf32>
    tpu.vector_store %arg3[%swap3A_313, %swap3A_314, %swap3A_315, %swap3A_316], %swap3A_319 {strides = array<i32>} : memref<1x24x64x500xf32, #tpu.memory_space<vmem>>, vector<1x1x64x500xf32>,
    %get3A_320 = arith.constant 19 : index
    %get3A_321 = arith.index_cast %arg0 : i32 to index
    %get3A_322 = memref.load %arg1[%get3A_320, %get3A_321] : memref<24x32xi32, #tpu.memory_space<smem>>
    %get3A_323 = arith.index_cast %get3A_322 : i32 to index
    %get3A_324 = arith.constant 0 : index
    %get3A_325 = vector.load %arg2[%get3A_323, %get3A_324] : memref<100x64xf32, #tpu.memory_space<vmem>>, vector<1x64xf32>
    %get3A_326 = vector.shape_cast %get3A_325 : vector<1x64xf32> to vector<64xf32>
    %broadcast_in_dim3A_327 = vector.shape_cast %get3A_326 : vector<64xf32> to vector<64x1xf32>
    %broadcast_in_dim3A_328 = vector.shape_cast %broadcast_in_dim3A_327 : vector<64x1xf32> to vector<64x1xf32>
    %broadcast_in_dim3A_329 = vector.broadcast %broadcast_in_dim3A_328 : vector<64x1xf32> to vector<64x500xf32>
    %swap3A_330 = arith.constant 0 : index
    %swap3A_331 = arith.constant 19 : index
    %swap3A_332 = arith.constant 0 : index
    %swap3A_333 = arith.constant 0 : index
    %swap3A_334 = vector.load %arg3[%swap3A_330, %swap3A_331, %swap3A_332, %swap3A_333] : memref<1x24x64x500xf32, #tpu.memory_space<vmem>>, vector<1x1x64x500xf32>
    %swap3A_335 = vector.shape_cast %swap3A_334 : vector<1x1x64x500xf32> to vector<64x500xf32>
    %swap3A_336 = vector.shape_cast %broadcast_in_dim3A_329 : vector<64x500xf32> to vector<1x1x64x500xf32>
    tpu.vector_store %arg3[%swap3A_330, %swap3A_331, %swap3A_332, %swap3A_333], %swap3A_336 {strides = array<i32>} : memref<1x24x64x500xf32, #tpu.memory_space<vmem>>, vector<1x1x64x500xf32>,
    %get3A_337 = arith.constant 20 : index
    %get3A_338 = arith.index_cast %arg0 : i32 to index
    %get3A_339 = memref.load %arg1[%get3A_337, %get3A_338] : memref<24x32xi32, #tpu.memory_space<smem>>
    %get3A_340 = arith.index_cast %get3A_339 : i32 to index
    %get3A_341 = arith.constant 0 : index
    %get3A_342 = vector.load %arg2[%get3A_340, %get3A_341] : memref<100x64xf32, #tpu.memory_space<vmem>>, vector<1x64xf32>
    %get3A_343 = vector.shape_cast %get3A_342 : vector<1x64xf32> to vector<64xf32>
    %broadcast_in_dim3A_344 = vector.shape_cast %get3A_343 : vector<64xf32> to vector<64x1xf32>
    %broadcast_in_dim3A_345 = vector.shape_cast %broadcast_in_dim3A_344 : vector<64x1xf32> to vector<64x1xf32>
    %broadcast_in_dim3A_346 = vector.broadcast %broadcast_in_dim3A_345 : vector<64x1xf32> to vector<64x500xf32>
    %swap3A_347 = arith.constant 0 : index
    %swap3A_348 = arith.constant 20 : index
    %swap3A_349 = arith.constant 0 : index
    %swap3A_350 = arith.constant 0 : index
    %swap3A_351 = vector.load %arg3[%swap3A_347, %swap3A_348, %swap3A_349, %swap3A_350] : memref<1x24x64x500xf32, #tpu.memory_space<vmem>>, vector<1x1x64x500xf32>
    %swap3A_352 = vector.shape_cast %swap3A_351 : vector<1x1x64x500xf32> to vector<64x500xf32>
    %swap3A_353 = vector.shape_cast %broadcast_in_dim3A_346 : vector<64x500xf32> to vector<1x1x64x500xf32>
    tpu.vector_store %arg3[%swap3A_347, %swap3A_348, %swap3A_349, %swap3A_350], %swap3A_353 {strides = array<i32>} : memref<1x24x64x500xf32, #tpu.memory_space<vmem>>, vector<1x1x64x500xf32>,
    %get3A_354 = arith.constant 21 : index
    %get3A_355 = arith.index_cast %arg0 : i32 to index
    %get3A_356 = memref.load %arg1[%get3A_354, %get3A_355] : memref<24x32xi32, #tpu.memory_space<smem>>
    %get3A_357 = arith.index_cast %get3A_356 : i32 to index
    %get3A_358 = arith.constant 0 : index
    %get3A_359 = vector.load %arg2[%get3A_357, %get3A_358] : memref<100x64xf32, #tpu.memory_space<vmem>>, vector<1x64xf32>
    %get3A_360 = vector.shape_cast %get3A_359 : vector<1x64xf32> to vector<64xf32>
    %broadcast_in_dim3A_361 = vector.shape_cast %get3A_360 : vector<64xf32> to vector<64x1xf32>
    %broadcast_in_dim3A_362 = vector.shape_cast %broadcast_in_dim3A_361 : vector<64x1xf32> to vector<64x1xf32>
    %broadcast_in_dim3A_363 = vector.broadcast %broadcast_in_dim3A_362 : vector<64x1xf32> to vector<64x500xf32>
    %swap3A_364 = arith.constant 0 : index
    %swap3A_365 = arith.constant 21 : index
    %swap3A_366 = arith.constant 0 : index
    %swap3A_367 = arith.constant 0 : index
    %swap3A_368 = vector.load %arg3[%swap3A_364, %swap3A_365, %swap3A_366, %swap3A_367] : memref<1x24x64x500xf32, #tpu.memory_space<vmem>>, vector<1x1x64x500xf32>
    %swap3A_369 = vector.shape_cast %swap3A_368 : vector<1x1x64x500xf32> to vector<64x500xf32>
    %swap3A_370 = vector.shape_cast %broadcast_in_dim3A_363 : vector<64x500xf32> to vector<1x1x64x500xf32>
    tpu.vector_store %arg3[%swap3A_364, %swap3A_365, %swap3A_366, %swap3A_367], %swap3A_370 {strides = array<i32>} : memref<1x24x64x500xf32, #tpu.memory_space<vmem>>, vector<1x1x64x500xf32>,
    %get3A_371 = arith.constant 22 : index
    %get3A_372 = arith.index_cast %arg0 : i32 to index
    %get3A_373 = memref.load %arg1[%get3A_371, %get3A_372] : memref<24x32xi32, #tpu.memory_space<smem>>
    %get3A_374 = arith.index_cast %get3A_373 : i32 to index
    %get3A_375 = arith.constant 0 : index
    %get3A_376 = vector.load %arg2[%get3A_374, %get3A_375] : memref<100x64xf32, #tpu.memory_space<vmem>>, vector<1x64xf32>
    %get3A_377 = vector.shape_cast %get3A_376 : vector<1x64xf32> to vector<64xf32>
    %broadcast_in_dim3A_378 = vector.shape_cast %get3A_377 : vector<64xf32> to vector<64x1xf32>
    %broadcast_in_dim3A_379 = vector.shape_cast %broadcast_in_dim3A_378 : vector<64x1xf32> to vector<64x1xf32>
    %broadcast_in_dim3A_380 = vector.broadcast %broadcast_in_dim3A_379 : vector<64x1xf32> to vector<64x500xf32>
    %swap3A_381 = arith.constant 0 : index
    %swap3A_382 = arith.constant 22 : index
    %swap3A_383 = arith.constant 0 : index
    %swap3A_384 = arith.constant 0 : index
    %swap3A_385 = vector.load %arg3[%swap3A_381, %swap3A_382, %swap3A_383, %swap3A_384] : memref<1x24x64x500xf32, #tpu.memory_space<vmem>>, vector<1x1x64x500xf32>
    %swap3A_386 = vector.shape_cast %swap3A_385 : vector<1x1x64x500xf32> to vector<64x500xf32>
    %swap3A_387 = vector.shape_cast %broadcast_in_dim3A_380 : vector<64x500xf32> to vector<1x1x64x500xf32>
    tpu.vector_store %arg3[%swap3A_381, %swap3A_382, %swap3A_383, %swap3A_384], %swap3A_387 {strides = array<i32>} : memref<1x24x64x500xf32, #tpu.memory_space<vmem>>, vector<1x1x64x500xf32>,
    %get3A_388 = arith.constant 23 : index
    %get3A_389 = arith.index_cast %arg0 : i32 to index
    %get3A_390 = memref.load %arg1[%get3A_388, %get3A_389] : memref<24x32xi32, #tpu.memory_space<smem>>
    %get3A_391 = arith.index_cast %get3A_390 : i32 to index
    %get3A_392 = arith.constant 0 : index
    %get3A_393 = vector.load %arg2[%get3A_391, %get3A_392] : memref<100x64xf32, #tpu.memory_space<vmem>>, vector<1x64xf32>
    %get3A_394 = vector.shape_cast %get3A_393 : vector<1x64xf32> to vector<64xf32>
    %broadcast_in_dim3A_395 = vector.shape_cast %get3A_394 : vector<64xf32> to vector<64x1xf32>
    %broadcast_in_dim3A_396 = vector.shape_cast %broadcast_in_dim3A_395 : vector<64x1xf32> to vector<64x1xf32>
    %broadcast_in_dim3A_397 = vector.broadcast %broadcast_in_dim3A_396 : vector<64x1xf32> to vector<64x500xf32>
    %swap3A_398 = arith.constant 0 : index
    %swap3A_399 = arith.constant 23 : index
    %swap3A_400 = arith.constant 0 : index
    %swap3A_401 = arith.constant 0 : index
    %swap3A_402 = vector.load %arg3[%swap3A_398, %swap3A_399, %swap3A_400, %swap3A_401] : memref<1x24x64x500xf32, #tpu.memory_space<vmem>>, vector<1x1x64x500xf32>
    %swap3A_403 = vector.shape_cast %swap3A_402 : vector<1x1x64x500xf32> to vector<64x500xf32>
    %swap3A_404 = vector.shape_cast %broadcast_in_dim3A_397 : vector<64x500xf32> to vector<1x1x64x500xf32>
    tpu.vector_store %arg3[%swap3A_398, %swap3A_399, %swap3A_400, %swap3A_401], %swap3A_404 {strides = array<i32>} : memref<1x24x64x500xf32, #tpu.memory_space<vmem>>, vector<1x1x64x500xf32>,
    return
  }
  func.func @transform_0(%arg0: i32, %arg1: memref<24x32xi32, #tpu.memory_space<smem>>) -> (i32, i32) {
    %c0_i32 = arith.constant 0 : i32
    %c0_i32_0 = arith.constant 0 : i32
    %c0_i32_1 = arith.constant 0 : i32
    return %c0_i32, %c0_i32_0 : i32, i32
  }
  func.func @transform_1(%arg0: i32, %arg1: memref<24x32xi32, #tpu.memory_space<smem>>) -> (i32, i32, i32, i32) {
    %c0_i32 = arith.constant 0 : i32
    %c0_i32_0 = arith.constant 0 : i32
    %c0_i32_1 = arith.constant 0 : i32
    %c0_i32_2 = arith.constant 0 : i32
    return %arg0, %c0_i32, %c0_i32_0, %c0_i32_1 : i32, i32, i32, i32
  }
}

module attributes {stable_mosaic.version = 14 : i64} {
  func.func @body(%arg0: i32, %arg1: memref<18432xf32, #tpu.memory_space<vmem>>, %arg2: memref<32x24x64x500xf32, #tpu.memory_space<hbm>>, %arg3: memref<1x24x64x500xf32, #tpu.memory_space<vmem>>) attributes {dimension_semantics = [#tpu.dimension_semantics<arbitrary>], iteration_bounds = array<i64: 12>, scalar_prefetch = 0 : i64, scratch_operands = 0 : i64, tpu.core_type = #tpu.core_type<tc>, window_params = [{pipeline_mode = #tpu.pipeline_mode<synchronous>, transform_indices = @transform_0, window_bounds = array<i64: 18432>}, {}, {transform_indices = @transform_2, window_bounds = array<i64: 1, 24, 64, 500>}]} {
    %mul3A = arith.constant 24 : i32
    %mul3A_0 = arith.muli %arg0, %mul3A : i32
    %mul3A_1 = arith.constant 64 : i32
    %mul3A_2 = arith.muli %mul3A_0, %mul3A_1 : i32
    %add3A = arith.constant 0 : i32
    %add3A_3 = arith.addi %mul3A_2, %add3A : i32
    %get3A = arith.index_cast %add3A_3 : i32 to index
    %get3A_4 = vector.load %arg1[%get3A] : memref<18432xf32, #tpu.memory_space<vmem>>, vector<128xf32>
    %slice3A = vector.extract_strided_slice %get3A_4 {offsets = [0], sizes = [64], strides = [1]} : vector<128xf32> to vector<64xf32>
    %broadcast_in_dim3A = vector.shape_cast %slice3A : vector<64xf32> to vector<64x1xf32>
    %broadcast_in_dim3A_5 = vector.shape_cast %broadcast_in_dim3A : vector<64x1xf32> to vector<64x1xf32>
    %broadcast_in_dim3A_6 = vector.broadcast %broadcast_in_dim3A_5 : vector<64x1xf32> to vector<64x500xf32>
    %swap3A = arith.constant 0 : index
    %swap3A_7 = arith.constant 0 : index
    %swap3A_8 = arith.constant 0 : index
    %swap3A_9 = arith.constant 0 : index
    %swap3A_10 = vector.load %arg3[%swap3A, %swap3A_7, %swap3A_8, %swap3A_9] : memref<1x24x64x500xf32, #tpu.memory_space<vmem>>, vector<1x1x64x500xf32>
    %swap3A_11 = vector.shape_cast %swap3A_10 : vector<1x1x64x500xf32> to vector<64x500xf32>
    %swap3A_12 = vector.shape_cast %broadcast_in_dim3A_6 : vector<64x500xf32> to vector<1x1x64x500xf32>
    tpu.vector_store %arg3[%swap3A, %swap3A_7, %swap3A_8, %swap3A_9], %swap3A_12 {strides = array<i32>} : memref<1x24x64x500xf32, #tpu.memory_space<vmem>>, vector<1x1x64x500xf32>,
    %slice3A_13 = vector.extract_strided_slice %get3A_4 {offsets = [64], sizes = [64], strides = [1]} : vector<128xf32> to vector<64xf32>
    %broadcast_in_dim3A_14 = vector.shape_cast %slice3A_13 : vector<64xf32> to vector<64x1xf32>
    %broadcast_in_dim3A_15 = vector.shape_cast %broadcast_in_dim3A_14 : vector<64x1xf32> to vector<64x1xf32>
    %broadcast_in_dim3A_16 = vector.broadcast %broadcast_in_dim3A_15 : vector<64x1xf32> to vector<64x500xf32>
    %swap3A_17 = arith.constant 0 : index
    %swap3A_18 = arith.constant 1 : index
    %swap3A_19 = arith.constant 0 : index
    %swap3A_20 = arith.constant 0 : index
    %swap3A_21 = vector.load %arg3[%swap3A_17, %swap3A_18, %swap3A_19, %swap3A_20] : memref<1x24x64x500xf32, #tpu.memory_space<vmem>>, vector<1x1x64x500xf32>
    %swap3A_22 = vector.shape_cast %swap3A_21 : vector<1x1x64x500xf32> to vector<64x500xf32>
    %swap3A_23 = vector.shape_cast %broadcast_in_dim3A_16 : vector<64x500xf32> to vector<1x1x64x500xf32>
    tpu.vector_store %arg3[%swap3A_17, %swap3A_18, %swap3A_19, %swap3A_20], %swap3A_23 {strides = array<i32>} : memref<1x24x64x500xf32, #tpu.memory_space<vmem>>, vector<1x1x64x500xf32>,
    %mul3A_24 = arith.constant 24 : i32
    %mul3A_25 = arith.muli %arg0, %mul3A_24 : i32
    %mul3A_26 = arith.constant 64 : i32
    %mul3A_27 = arith.muli %mul3A_25, %mul3A_26 : i32
    %add3A_28 = arith.constant 128 : i32
    %add3A_29 = arith.addi %mul3A_27, %add3A_28 : i32
    %get3A_30 = arith.index_cast %add3A_29 : i32 to index
    %get3A_31 = vector.load %arg1[%get3A_30] : memref<18432xf32, #tpu.memory_space<vmem>>, vector<128xf32>
    %slice3A_32 = vector.extract_strided_slice %get3A_31 {offsets = [0], sizes = [64], strides = [1]} : vector<128xf32> to vector<64xf32>
    %broadcast_in_dim3A_33 = vector.shape_cast %slice3A_32 : vector<64xf32> to vector<64x1xf32>
    %broadcast_in_dim3A_34 = vector.shape_cast %broadcast_in_dim3A_33 : vector<64x1xf32> to vector<64x1xf32>
    %broadcast_in_dim3A_35 = vector.broadcast %broadcast_in_dim3A_34 : vector<64x1xf32> to vector<64x500xf32>
    %swap3A_36 = arith.constant 0 : index
    %swap3A_37 = arith.constant 2 : index
    %swap3A_38 = arith.constant 0 : index
    %swap3A_39 = arith.constant 0 : index
    %swap3A_40 = vector.load %arg3[%swap3A_36, %swap3A_37, %swap3A_38, %swap3A_39] : memref<1x24x64x500xf32, #tpu.memory_space<vmem>>, vector<1x1x64x500xf32>
    %swap3A_41 = vector.shape_cast %swap3A_40 : vector<1x1x64x500xf32> to vector<64x500xf32>
    %swap3A_42 = vector.shape_cast %broadcast_in_dim3A_35 : vector<64x500xf32> to vector<1x1x64x500xf32>
    tpu.vector_store %arg3[%swap3A_36, %swap3A_37, %swap3A_38, %swap3A_39], %swap3A_42 {strides = array<i32>} : memref<1x24x64x500xf32, #tpu.memory_space<vmem>>, vector<1x1x64x500xf32>,
    %slice3A_43 = vector.extract_strided_slice %get3A_31 {offsets = [64], sizes = [64], strides = [1]} : vector<128xf32> to vector<64xf32>
    %broadcast_in_dim3A_44 = vector.shape_cast %slice3A_43 : vector<64xf32> to vector<64x1xf32>
    %broadcast_in_dim3A_45 = vector.shape_cast %broadcast_in_dim3A_44 : vector<64x1xf32> to vector<64x1xf32>
    %broadcast_in_dim3A_46 = vector.broadcast %broadcast_in_dim3A_45 : vector<64x1xf32> to vector<64x500xf32>
    %swap3A_47 = arith.constant 0 : index
    %swap3A_48 = arith.constant 3 : index
    %swap3A_49 = arith.constant 0 : index
    %swap3A_50 = arith.constant 0 : index
    %swap3A_51 = vector.load %arg3[%swap3A_47, %swap3A_48, %swap3A_49, %swap3A_50] : memref<1x24x64x500xf32, #tpu.memory_space<vmem>>, vector<1x1x64x500xf32>
    %swap3A_52 = vector.shape_cast %swap3A_51 : vector<1x1x64x500xf32> to vector<64x500xf32>
    %swap3A_53 = vector.shape_cast %broadcast_in_dim3A_46 : vector<64x500xf32> to vector<1x1x64x500xf32>
    tpu.vector_store %arg3[%swap3A_47, %swap3A_48, %swap3A_49, %swap3A_50], %swap3A_53 {strides = array<i32>} : memref<1x24x64x500xf32, #tpu.memory_space<vmem>>, vector<1x1x64x500xf32>,
    %mul3A_54 = arith.constant 24 : i32
    %mul3A_55 = arith.muli %arg0, %mul3A_54 : i32
    %mul3A_56 = arith.constant 64 : i32
    %mul3A_57 = arith.muli %mul3A_55, %mul3A_56 : i32
    %add3A_58 = arith.constant 256 : i32
    %add3A_59 = arith.addi %mul3A_57, %add3A_58 : i32
    %get3A_60 = arith.index_cast %add3A_59 : i32 to index
    %get3A_61 = vector.load %arg1[%get3A_60] : memref<18432xf32, #tpu.memory_space<vmem>>, vector<128xf32>
    %slice3A_62 = vector.extract_strided_slice %get3A_61 {offsets = [0], sizes = [64], strides = [1]} : vector<128xf32> to vector<64xf32>
    %broadcast_in_dim3A_63 = vector.shape_cast %slice3A_62 : vector<64xf32> to vector<64x1xf32>
    %broadcast_in_dim3A_64 = vector.shape_cast %broadcast_in_dim3A_63 : vector<64x1xf32> to vector<64x1xf32>
    %broadcast_in_dim3A_65 = vector.broadcast %broadcast_in_dim3A_64 : vector<64x1xf32> to vector<64x500xf32>
    %swap3A_66 = arith.constant 0 : index
    %swap3A_67 = arith.constant 4 : index
    %swap3A_68 = arith.constant 0 : index
    %swap3A_69 = arith.constant 0 : index
    %swap3A_70 = vector.load %arg3[%swap3A_66, %swap3A_67, %swap3A_68, %swap3A_69] : memref<1x24x64x500xf32, #tpu.memory_space<vmem>>, vector<1x1x64x500xf32>
    %swap3A_71 = vector.shape_cast %swap3A_70 : vector<1x1x64x500xf32> to vector<64x500xf32>
    %swap3A_72 = vector.shape_cast %broadcast_in_dim3A_65 : vector<64x500xf32> to vector<1x1x64x500xf32>
    tpu.vector_store %arg3[%swap3A_66, %swap3A_67, %swap3A_68, %swap3A_69], %swap3A_72 {strides = array<i32>} : memref<1x24x64x500xf32, #tpu.memory_space<vmem>>, vector<1x1x64x500xf32>,
    %slice3A_73 = vector.extract_strided_slice %get3A_61 {offsets = [64], sizes = [64], strides = [1]} : vector<128xf32> to vector<64xf32>
    %broadcast_in_dim3A_74 = vector.shape_cast %slice3A_73 : vector<64xf32> to vector<64x1xf32>
    %broadcast_in_dim3A_75 = vector.shape_cast %broadcast_in_dim3A_74 : vector<64x1xf32> to vector<64x1xf32>
    %broadcast_in_dim3A_76 = vector.broadcast %broadcast_in_dim3A_75 : vector<64x1xf32> to vector<64x500xf32>
    %swap3A_77 = arith.constant 0 : index
    %swap3A_78 = arith.constant 5 : index
    %swap3A_79 = arith.constant 0 : index
    %swap3A_80 = arith.constant 0 : index
    %swap3A_81 = vector.load %arg3[%swap3A_77, %swap3A_78, %swap3A_79, %swap3A_80] : memref<1x24x64x500xf32, #tpu.memory_space<vmem>>, vector<1x1x64x500xf32>
    %swap3A_82 = vector.shape_cast %swap3A_81 : vector<1x1x64x500xf32> to vector<64x500xf32>
    %swap3A_83 = vector.shape_cast %broadcast_in_dim3A_76 : vector<64x500xf32> to vector<1x1x64x500xf32>
    tpu.vector_store %arg3[%swap3A_77, %swap3A_78, %swap3A_79, %swap3A_80], %swap3A_83 {strides = array<i32>} : memref<1x24x64x500xf32, #tpu.memory_space<vmem>>, vector<1x1x64x500xf32>,
    %mul3A_84 = arith.constant 24 : i32
    %mul3A_85 = arith.muli %arg0, %mul3A_84 : i32
    %mul3A_86 = arith.constant 64 : i32
    %mul3A_87 = arith.muli %mul3A_85, %mul3A_86 : i32
    %add3A_88 = arith.constant 384 : i32
    %add3A_89 = arith.addi %mul3A_87, %add3A_88 : i32
    %get3A_90 = arith.index_cast %add3A_89 : i32 to index
    %get3A_91 = vector.load %arg1[%get3A_90] : memref<18432xf32, #tpu.memory_space<vmem>>, vector<128xf32>
    %slice3A_92 = vector.extract_strided_slice %get3A_91 {offsets = [0], sizes = [64], strides = [1]} : vector<128xf32> to vector<64xf32>
    %broadcast_in_dim3A_93 = vector.shape_cast %slice3A_92 : vector<64xf32> to vector<64x1xf32>
    %broadcast_in_dim3A_94 = vector.shape_cast %broadcast_in_dim3A_93 : vector<64x1xf32> to vector<64x1xf32>
    %broadcast_in_dim3A_95 = vector.broadcast %broadcast_in_dim3A_94 : vector<64x1xf32> to vector<64x500xf32>
    %swap3A_96 = arith.constant 0 : index
    %swap3A_97 = arith.constant 6 : index
    %swap3A_98 = arith.constant 0 : index
    %swap3A_99 = arith.constant 0 : index
    %swap3A_100 = vector.load %arg3[%swap3A_96, %swap3A_97, %swap3A_98, %swap3A_99] : memref<1x24x64x500xf32, #tpu.memory_space<vmem>>, vector<1x1x64x500xf32>
    %swap3A_101 = vector.shape_cast %swap3A_100 : vector<1x1x64x500xf32> to vector<64x500xf32>
    %swap3A_102 = vector.shape_cast %broadcast_in_dim3A_95 : vector<64x500xf32> to vector<1x1x64x500xf32>
    tpu.vector_store %arg3[%swap3A_96, %swap3A_97, %swap3A_98, %swap3A_99], %swap3A_102 {strides = array<i32>} : memref<1x24x64x500xf32, #tpu.memory_space<vmem>>, vector<1x1x64x500xf32>,
    %slice3A_103 = vector.extract_strided_slice %get3A_91 {offsets = [64], sizes = [64], strides = [1]} : vector<128xf32> to vector<64xf32>
    %broadcast_in_dim3A_104 = vector.shape_cast %slice3A_103 : vector<64xf32> to vector<64x1xf32>
    %broadcast_in_dim3A_105 = vector.shape_cast %broadcast_in_dim3A_104 : vector<64x1xf32> to vector<64x1xf32>
    %broadcast_in_dim3A_106 = vector.broadcast %broadcast_in_dim3A_105 : vector<64x1xf32> to vector<64x500xf32>
    %swap3A_107 = arith.constant 0 : index
    %swap3A_108 = arith.constant 7 : index
    %swap3A_109 = arith.constant 0 : index
    %swap3A_110 = arith.constant 0 : index
    %swap3A_111 = vector.load %arg3[%swap3A_107, %swap3A_108, %swap3A_109, %swap3A_110] : memref<1x24x64x500xf32, #tpu.memory_space<vmem>>, vector<1x1x64x500xf32>
    %swap3A_112 = vector.shape_cast %swap3A_111 : vector<1x1x64x500xf32> to vector<64x500xf32>
    %swap3A_113 = vector.shape_cast %broadcast_in_dim3A_106 : vector<64x500xf32> to vector<1x1x64x500xf32>
    tpu.vector_store %arg3[%swap3A_107, %swap3A_108, %swap3A_109, %swap3A_110], %swap3A_113 {strides = array<i32>} : memref<1x24x64x500xf32, #tpu.memory_space<vmem>>, vector<1x1x64x500xf32>,
    %mul3A_114 = arith.constant 24 : i32
    %mul3A_115 = arith.muli %arg0, %mul3A_114 : i32
    %mul3A_116 = arith.constant 64 : i32
    %mul3A_117 = arith.muli %mul3A_115, %mul3A_116 : i32
    %add3A_118 = arith.constant 512 : i32
    %add3A_119 = arith.addi %mul3A_117, %add3A_118 : i32
    %get3A_120 = arith.index_cast %add3A_119 : i32 to index
    %get3A_121 = vector.load %arg1[%get3A_120] : memref<18432xf32, #tpu.memory_space<vmem>>, vector<128xf32>
    %slice3A_122 = vector.extract_strided_slice %get3A_121 {offsets = [0], sizes = [64], strides = [1]} : vector<128xf32> to vector<64xf32>
    %broadcast_in_dim3A_123 = vector.shape_cast %slice3A_122 : vector<64xf32> to vector<64x1xf32>
    %broadcast_in_dim3A_124 = vector.shape_cast %broadcast_in_dim3A_123 : vector<64x1xf32> to vector<64x1xf32>
    %broadcast_in_dim3A_125 = vector.broadcast %broadcast_in_dim3A_124 : vector<64x1xf32> to vector<64x500xf32>
    %swap3A_126 = arith.constant 0 : index
    %swap3A_127 = arith.constant 8 : index
    %swap3A_128 = arith.constant 0 : index
    %swap3A_129 = arith.constant 0 : index
    %swap3A_130 = vector.load %arg3[%swap3A_126, %swap3A_127, %swap3A_128, %swap3A_129] : memref<1x24x64x500xf32, #tpu.memory_space<vmem>>, vector<1x1x64x500xf32>
    %swap3A_131 = vector.shape_cast %swap3A_130 : vector<1x1x64x500xf32> to vector<64x500xf32>
    %swap3A_132 = vector.shape_cast %broadcast_in_dim3A_125 : vector<64x500xf32> to vector<1x1x64x500xf32>
    tpu.vector_store %arg3[%swap3A_126, %swap3A_127, %swap3A_128, %swap3A_129], %swap3A_132 {strides = array<i32>} : memref<1x24x64x500xf32, #tpu.memory_space<vmem>>, vector<1x1x64x500xf32>,
    %slice3A_133 = vector.extract_strided_slice %get3A_121 {offsets = [64], sizes = [64], strides = [1]} : vector<128xf32> to vector<64xf32>
    %broadcast_in_dim3A_134 = vector.shape_cast %slice3A_133 : vector<64xf32> to vector<64x1xf32>
    %broadcast_in_dim3A_135 = vector.shape_cast %broadcast_in_dim3A_134 : vector<64x1xf32> to vector<64x1xf32>
    %broadcast_in_dim3A_136 = vector.broadcast %broadcast_in_dim3A_135 : vector<64x1xf32> to vector<64x500xf32>
    %swap3A_137 = arith.constant 0 : index
    %swap3A_138 = arith.constant 9 : index
    %swap3A_139 = arith.constant 0 : index
    %swap3A_140 = arith.constant 0 : index
    %swap3A_141 = vector.load %arg3[%swap3A_137, %swap3A_138, %swap3A_139, %swap3A_140] : memref<1x24x64x500xf32, #tpu.memory_space<vmem>>, vector<1x1x64x500xf32>
    %swap3A_142 = vector.shape_cast %swap3A_141 : vector<1x1x64x500xf32> to vector<64x500xf32>
    %swap3A_143 = vector.shape_cast %broadcast_in_dim3A_136 : vector<64x500xf32> to vector<1x1x64x500xf32>
    tpu.vector_store %arg3[%swap3A_137, %swap3A_138, %swap3A_139, %swap3A_140], %swap3A_143 {strides = array<i32>} : memref<1x24x64x500xf32, #tpu.memory_space<vmem>>, vector<1x1x64x500xf32>,
    %mul3A_144 = arith.constant 24 : i32
    %mul3A_145 = arith.muli %arg0, %mul3A_144 : i32
    %mul3A_146 = arith.constant 64 : i32
    %mul3A_147 = arith.muli %mul3A_145, %mul3A_146 : i32
    %add3A_148 = arith.constant 640 : i32
    %add3A_149 = arith.addi %mul3A_147, %add3A_148 : i32
    %get3A_150 = arith.index_cast %add3A_149 : i32 to index
    %get3A_151 = vector.load %arg1[%get3A_150] : memref<18432xf32, #tpu.memory_space<vmem>>, vector<128xf32>
    %slice3A_152 = vector.extract_strided_slice %get3A_151 {offsets = [0], sizes = [64], strides = [1]} : vector<128xf32> to vector<64xf32>
    %broadcast_in_dim3A_153 = vector.shape_cast %slice3A_152 : vector<64xf32> to vector<64x1xf32>
    %broadcast_in_dim3A_154 = vector.shape_cast %broadcast_in_dim3A_153 : vector<64x1xf32> to vector<64x1xf32>
    %broadcast_in_dim3A_155 = vector.broadcast %broadcast_in_dim3A_154 : vector<64x1xf32> to vector<64x500xf32>
    %swap3A_156 = arith.constant 0 : index
    %swap3A_157 = arith.constant 10 : index
    %swap3A_158 = arith.constant 0 : index
    %swap3A_159 = arith.constant 0 : index
    %swap3A_160 = vector.load %arg3[%swap3A_156, %swap3A_157, %swap3A_158, %swap3A_159] : memref<1x24x64x500xf32, #tpu.memory_space<vmem>>, vector<1x1x64x500xf32>
    %swap3A_161 = vector.shape_cast %swap3A_160 : vector<1x1x64x500xf32> to vector<64x500xf32>
    %swap3A_162 = vector.shape_cast %broadcast_in_dim3A_155 : vector<64x500xf32> to vector<1x1x64x500xf32>
    tpu.vector_store %arg3[%swap3A_156, %swap3A_157, %swap3A_158, %swap3A_159], %swap3A_162 {strides = array<i32>} : memref<1x24x64x500xf32, #tpu.memory_space<vmem>>, vector<1x1x64x500xf32>,
    %slice3A_163 = vector.extract_strided_slice %get3A_151 {offsets = [64], sizes = [64], strides = [1]} : vector<128xf32> to vector<64xf32>
    %broadcast_in_dim3A_164 = vector.shape_cast %slice3A_163 : vector<64xf32> to vector<64x1xf32>
    %broadcast_in_dim3A_165 = vector.shape_cast %broadcast_in_dim3A_164 : vector<64x1xf32> to vector<64x1xf32>
    %broadcast_in_dim3A_166 = vector.broadcast %broadcast_in_dim3A_165 : vector<64x1xf32> to vector<64x500xf32>
    %swap3A_167 = arith.constant 0 : index
    %swap3A_168 = arith.constant 11 : index
    %swap3A_169 = arith.constant 0 : index
    %swap3A_170 = arith.constant 0 : index
    %swap3A_171 = vector.load %arg3[%swap3A_167, %swap3A_168, %swap3A_169, %swap3A_170] : memref<1x24x64x500xf32, #tpu.memory_space<vmem>>, vector<1x1x64x500xf32>
    %swap3A_172 = vector.shape_cast %swap3A_171 : vector<1x1x64x500xf32> to vector<64x500xf32>
    %swap3A_173 = vector.shape_cast %broadcast_in_dim3A_166 : vector<64x500xf32> to vector<1x1x64x500xf32>
    tpu.vector_store %arg3[%swap3A_167, %swap3A_168, %swap3A_169, %swap3A_170], %swap3A_173 {strides = array<i32>} : memref<1x24x64x500xf32, #tpu.memory_space<vmem>>, vector<1x1x64x500xf32>,
    %mul3A_174 = arith.constant 24 : i32
    %mul3A_175 = arith.muli %arg0, %mul3A_174 : i32
    %mul3A_176 = arith.constant 64 : i32
    %mul3A_177 = arith.muli %mul3A_175, %mul3A_176 : i32
    %add3A_178 = arith.constant 768 : i32
    %add3A_179 = arith.addi %mul3A_177, %add3A_178 : i32
    %get3A_180 = arith.index_cast %add3A_179 : i32 to index
    %get3A_181 = vector.load %arg1[%get3A_180] : memref<18432xf32, #tpu.memory_space<vmem>>, vector<128xf32>
    %slice3A_182 = vector.extract_strided_slice %get3A_181 {offsets = [0], sizes = [64], strides = [1]} : vector<128xf32> to vector<64xf32>
    %broadcast_in_dim3A_183 = vector.shape_cast %slice3A_182 : vector<64xf32> to vector<64x1xf32>
    %broadcast_in_dim3A_184 = vector.shape_cast %broadcast_in_dim3A_183 : vector<64x1xf32> to vector<64x1xf32>
    %broadcast_in_dim3A_185 = vector.broadcast %broadcast_in_dim3A_184 : vector<64x1xf32> to vector<64x500xf32>
    %swap3A_186 = arith.constant 0 : index
    %swap3A_187 = arith.constant 12 : index
    %swap3A_188 = arith.constant 0 : index
    %swap3A_189 = arith.constant 0 : index
    %swap3A_190 = vector.load %arg3[%swap3A_186, %swap3A_187, %swap3A_188, %swap3A_189] : memref<1x24x64x500xf32, #tpu.memory_space<vmem>>, vector<1x1x64x500xf32>
    %swap3A_191 = vector.shape_cast %swap3A_190 : vector<1x1x64x500xf32> to vector<64x500xf32>
    %swap3A_192 = vector.shape_cast %broadcast_in_dim3A_185 : vector<64x500xf32> to vector<1x1x64x500xf32>
    tpu.vector_store %arg3[%swap3A_186, %swap3A_187, %swap3A_188, %swap3A_189], %swap3A_192 {strides = array<i32>} : memref<1x24x64x500xf32, #tpu.memory_space<vmem>>, vector<1x1x64x500xf32>,
    %slice3A_193 = vector.extract_strided_slice %get3A_181 {offsets = [64], sizes = [64], strides = [1]} : vector<128xf32> to vector<64xf32>
    %broadcast_in_dim3A_194 = vector.shape_cast %slice3A_193 : vector<64xf32> to vector<64x1xf32>
    %broadcast_in_dim3A_195 = vector.shape_cast %broadcast_in_dim3A_194 : vector<64x1xf32> to vector<64x1xf32>
    %broadcast_in_dim3A_196 = vector.broadcast %broadcast_in_dim3A_195 : vector<64x1xf32> to vector<64x500xf32>
    %swap3A_197 = arith.constant 0 : index
    %swap3A_198 = arith.constant 13 : index
    %swap3A_199 = arith.constant 0 : index
    %swap3A_200 = arith.constant 0 : index
    %swap3A_201 = vector.load %arg3[%swap3A_197, %swap3A_198, %swap3A_199, %swap3A_200] : memref<1x24x64x500xf32, #tpu.memory_space<vmem>>, vector<1x1x64x500xf32>
    %swap3A_202 = vector.shape_cast %swap3A_201 : vector<1x1x64x500xf32> to vector<64x500xf32>
    %swap3A_203 = vector.shape_cast %broadcast_in_dim3A_196 : vector<64x500xf32> to vector<1x1x64x500xf32>
    tpu.vector_store %arg3[%swap3A_197, %swap3A_198, %swap3A_199, %swap3A_200], %swap3A_203 {strides = array<i32>} : memref<1x24x64x500xf32, #tpu.memory_space<vmem>>, vector<1x1x64x500xf32>,
    %mul3A_204 = arith.constant 24 : i32
    %mul3A_205 = arith.muli %arg0, %mul3A_204 : i32
    %mul3A_206 = arith.constant 64 : i32
    %mul3A_207 = arith.muli %mul3A_205, %mul3A_206 : i32
    %add3A_208 = arith.constant 896 : i32
    %add3A_209 = arith.addi %mul3A_207, %add3A_208 : i32
    %get3A_210 = arith.index_cast %add3A_209 : i32 to index
    %get3A_211 = vector.load %arg1[%get3A_210] : memref<18432xf32, #tpu.memory_space<vmem>>, vector<128xf32>
    %slice3A_212 = vector.extract_strided_slice %get3A_211 {offsets = [0], sizes = [64], strides = [1]} : vector<128xf32> to vector<64xf32>
    %broadcast_in_dim3A_213 = vector.shape_cast %slice3A_212 : vector<64xf32> to vector<64x1xf32>
    %broadcast_in_dim3A_214 = vector.shape_cast %broadcast_in_dim3A_213 : vector<64x1xf32> to vector<64x1xf32>
    %broadcast_in_dim3A_215 = vector.broadcast %broadcast_in_dim3A_214 : vector<64x1xf32> to vector<64x500xf32>
    %swap3A_216 = arith.constant 0 : index
    %swap3A_217 = arith.constant 14 : index
    %swap3A_218 = arith.constant 0 : index
    %swap3A_219 = arith.constant 0 : index
    %swap3A_220 = vector.load %arg3[%swap3A_216, %swap3A_217, %swap3A_218, %swap3A_219] : memref<1x24x64x500xf32, #tpu.memory_space<vmem>>, vector<1x1x64x500xf32>
    %swap3A_221 = vector.shape_cast %swap3A_220 : vector<1x1x64x500xf32> to vector<64x500xf32>
    %swap3A_222 = vector.shape_cast %broadcast_in_dim3A_215 : vector<64x500xf32> to vector<1x1x64x500xf32>
    tpu.vector_store %arg3[%swap3A_216, %swap3A_217, %swap3A_218, %swap3A_219], %swap3A_222 {strides = array<i32>} : memref<1x24x64x500xf32, #tpu.memory_space<vmem>>, vector<1x1x64x500xf32>,
    %slice3A_223 = vector.extract_strided_slice %get3A_211 {offsets = [64], sizes = [64], strides = [1]} : vector<128xf32> to vector<64xf32>
    %broadcast_in_dim3A_224 = vector.shape_cast %slice3A_223 : vector<64xf32> to vector<64x1xf32>
    %broadcast_in_dim3A_225 = vector.shape_cast %broadcast_in_dim3A_224 : vector<64x1xf32> to vector<64x1xf32>
    %broadcast_in_dim3A_226 = vector.broadcast %broadcast_in_dim3A_225 : vector<64x1xf32> to vector<64x500xf32>
    %swap3A_227 = arith.constant 0 : index
    %swap3A_228 = arith.constant 15 : index
    %swap3A_229 = arith.constant 0 : index
    %swap3A_230 = arith.constant 0 : index
    %swap3A_231 = vector.load %arg3[%swap3A_227, %swap3A_228, %swap3A_229, %swap3A_230] : memref<1x24x64x500xf32, #tpu.memory_space<vmem>>, vector<1x1x64x500xf32>
    %swap3A_232 = vector.shape_cast %swap3A_231 : vector<1x1x64x500xf32> to vector<64x500xf32>
    %swap3A_233 = vector.shape_cast %broadcast_in_dim3A_226 : vector<64x500xf32> to vector<1x1x64x500xf32>
    tpu.vector_store %arg3[%swap3A_227, %swap3A_228, %swap3A_229, %swap3A_230], %swap3A_233 {strides = array<i32>} : memref<1x24x64x500xf32, #tpu.memory_space<vmem>>, vector<1x1x64x500xf32>,
    %mul3A_234 = arith.constant 24 : i32
    %mul3A_235 = arith.muli %arg0, %mul3A_234 : i32
    %mul3A_236 = arith.constant 64 : i32
    %mul3A_237 = arith.muli %mul3A_235, %mul3A_236 : i32
    %add3A_238 = arith.constant 1024 : i32
    %add3A_239 = arith.addi %mul3A_237, %add3A_238 : i32
    %get3A_240 = arith.index_cast %add3A_239 : i32 to index
    %get3A_241 = vector.load %arg1[%get3A_240] : memref<18432xf32, #tpu.memory_space<vmem>>, vector<128xf32>
    %slice3A_242 = vector.extract_strided_slice %get3A_241 {offsets = [0], sizes = [64], strides = [1]} : vector<128xf32> to vector<64xf32>
    %broadcast_in_dim3A_243 = vector.shape_cast %slice3A_242 : vector<64xf32> to vector<64x1xf32>
    %broadcast_in_dim3A_244 = vector.shape_cast %broadcast_in_dim3A_243 : vector<64x1xf32> to vector<64x1xf32>
    %broadcast_in_dim3A_245 = vector.broadcast %broadcast_in_dim3A_244 : vector<64x1xf32> to vector<64x500xf32>
    %swap3A_246 = arith.constant 0 : index
    %swap3A_247 = arith.constant 16 : index
    %swap3A_248 = arith.constant 0 : index
    %swap3A_249 = arith.constant 0 : index
    %swap3A_250 = vector.load %arg3[%swap3A_246, %swap3A_247, %swap3A_248, %swap3A_249] : memref<1x24x64x500xf32, #tpu.memory_space<vmem>>, vector<1x1x64x500xf32>
    %swap3A_251 = vector.shape_cast %swap3A_250 : vector<1x1x64x500xf32> to vector<64x500xf32>
    %swap3A_252 = vector.shape_cast %broadcast_in_dim3A_245 : vector<64x500xf32> to vector<1x1x64x500xf32>
    tpu.vector_store %arg3[%swap3A_246, %swap3A_247, %swap3A_248, %swap3A_249], %swap3A_252 {strides = array<i32>} : memref<1x24x64x500xf32, #tpu.memory_space<vmem>>, vector<1x1x64x500xf32>,
    %slice3A_253 = vector.extract_strided_slice %get3A_241 {offsets = [64], sizes = [64], strides = [1]} : vector<128xf32> to vector<64xf32>
    %broadcast_in_dim3A_254 = vector.shape_cast %slice3A_253 : vector<64xf32> to vector<64x1xf32>
    %broadcast_in_dim3A_255 = vector.shape_cast %broadcast_in_dim3A_254 : vector<64x1xf32> to vector<64x1xf32>
    %broadcast_in_dim3A_256 = vector.broadcast %broadcast_in_dim3A_255 : vector<64x1xf32> to vector<64x500xf32>
    %swap3A_257 = arith.constant 0 : index
    %swap3A_258 = arith.constant 17 : index
    %swap3A_259 = arith.constant 0 : index
    %swap3A_260 = arith.constant 0 : index
    %swap3A_261 = vector.load %arg3[%swap3A_257, %swap3A_258, %swap3A_259, %swap3A_260] : memref<1x24x64x500xf32, #tpu.memory_space<vmem>>, vector<1x1x64x500xf32>
    %swap3A_262 = vector.shape_cast %swap3A_261 : vector<1x1x64x500xf32> to vector<64x500xf32>
    %swap3A_263 = vector.shape_cast %broadcast_in_dim3A_256 : vector<64x500xf32> to vector<1x1x64x500xf32>
    tpu.vector_store %arg3[%swap3A_257, %swap3A_258, %swap3A_259, %swap3A_260], %swap3A_263 {strides = array<i32>} : memref<1x24x64x500xf32, #tpu.memory_space<vmem>>, vector<1x1x64x500xf32>,
    %mul3A_264 = arith.constant 24 : i32
    %mul3A_265 = arith.muli %arg0, %mul3A_264 : i32
    %mul3A_266 = arith.constant 64 : i32
    %mul3A_267 = arith.muli %mul3A_265, %mul3A_266 : i32
    %add3A_268 = arith.constant 1152 : i32
    %add3A_269 = arith.addi %mul3A_267, %add3A_268 : i32
    %get3A_270 = arith.index_cast %add3A_269 : i32 to index
    %get3A_271 = vector.load %arg1[%get3A_270] : memref<18432xf32, #tpu.memory_space<vmem>>, vector<128xf32>
    %slice3A_272 = vector.extract_strided_slice %get3A_271 {offsets = [0], sizes = [64], strides = [1]} : vector<128xf32> to vector<64xf32>
    %broadcast_in_dim3A_273 = vector.shape_cast %slice3A_272 : vector<64xf32> to vector<64x1xf32>
    %broadcast_in_dim3A_274 = vector.shape_cast %broadcast_in_dim3A_273 : vector<64x1xf32> to vector<64x1xf32>
    %broadcast_in_dim3A_275 = vector.broadcast %broadcast_in_dim3A_274 : vector<64x1xf32> to vector<64x500xf32>
    %swap3A_276 = arith.constant 0 : index
    %swap3A_277 = arith.constant 18 : index
    %swap3A_278 = arith.constant 0 : index
    %swap3A_279 = arith.constant 0 : index
    %swap3A_280 = vector.load %arg3[%swap3A_276, %swap3A_277, %swap3A_278, %swap3A_279] : memref<1x24x64x500xf32, #tpu.memory_space<vmem>>, vector<1x1x64x500xf32>
    %swap3A_281 = vector.shape_cast %swap3A_280 : vector<1x1x64x500xf32> to vector<64x500xf32>
    %swap3A_282 = vector.shape_cast %broadcast_in_dim3A_275 : vector<64x500xf32> to vector<1x1x64x500xf32>
    tpu.vector_store %arg3[%swap3A_276, %swap3A_277, %swap3A_278, %swap3A_279], %swap3A_282 {strides = array<i32>} : memref<1x24x64x500xf32, #tpu.memory_space<vmem>>, vector<1x1x64x500xf32>,
    %slice3A_283 = vector.extract_strided_slice %get3A_271 {offsets = [64], sizes = [64], strides = [1]} : vector<128xf32> to vector<64xf32>
    %broadcast_in_dim3A_284 = vector.shape_cast %slice3A_283 : vector<64xf32> to vector<64x1xf32>
    %broadcast_in_dim3A_285 = vector.shape_cast %broadcast_in_dim3A_284 : vector<64x1xf32> to vector<64x1xf32>
    %broadcast_in_dim3A_286 = vector.broadcast %broadcast_in_dim3A_285 : vector<64x1xf32> to vector<64x500xf32>
    %swap3A_287 = arith.constant 0 : index
    %swap3A_288 = arith.constant 19 : index
    %swap3A_289 = arith.constant 0 : index
    %swap3A_290 = arith.constant 0 : index
    %swap3A_291 = vector.load %arg3[%swap3A_287, %swap3A_288, %swap3A_289, %swap3A_290] : memref<1x24x64x500xf32, #tpu.memory_space<vmem>>, vector<1x1x64x500xf32>
    %swap3A_292 = vector.shape_cast %swap3A_291 : vector<1x1x64x500xf32> to vector<64x500xf32>
    %swap3A_293 = vector.shape_cast %broadcast_in_dim3A_286 : vector<64x500xf32> to vector<1x1x64x500xf32>
    tpu.vector_store %arg3[%swap3A_287, %swap3A_288, %swap3A_289, %swap3A_290], %swap3A_293 {strides = array<i32>} : memref<1x24x64x500xf32, #tpu.memory_space<vmem>>, vector<1x1x64x500xf32>,
    %mul3A_294 = arith.constant 24 : i32
    %mul3A_295 = arith.muli %arg0, %mul3A_294 : i32
    %mul3A_296 = arith.constant 64 : i32
    %mul3A_297 = arith.muli %mul3A_295, %mul3A_296 : i32
    %add3A_298 = arith.constant 1280 : i32
    %add3A_299 = arith.addi %mul3A_297, %add3A_298 : i32
    %get3A_300 = arith.index_cast %add3A_299 : i32 to index
    %get3A_301 = vector.load %arg1[%get3A_300] : memref<18432xf32, #tpu.memory_space<vmem>>, vector<128xf32>
    %slice3A_302 = vector.extract_strided_slice %get3A_301 {offsets = [0], sizes = [64], strides = [1]} : vector<128xf32> to vector<64xf32>
    %broadcast_in_dim3A_303 = vector.shape_cast %slice3A_302 : vector<64xf32> to vector<64x1xf32>
    %broadcast_in_dim3A_304 = vector.shape_cast %broadcast_in_dim3A_303 : vector<64x1xf32> to vector<64x1xf32>
    %broadcast_in_dim3A_305 = vector.broadcast %broadcast_in_dim3A_304 : vector<64x1xf32> to vector<64x500xf32>
    %swap3A_306 = arith.constant 0 : index
    %swap3A_307 = arith.constant 20 : index
    %swap3A_308 = arith.constant 0 : index
    %swap3A_309 = arith.constant 0 : index
    %swap3A_310 = vector.load %arg3[%swap3A_306, %swap3A_307, %swap3A_308, %swap3A_309] : memref<1x24x64x500xf32, #tpu.memory_space<vmem>>, vector<1x1x64x500xf32>
    %swap3A_311 = vector.shape_cast %swap3A_310 : vector<1x1x64x500xf32> to vector<64x500xf32>
    %swap3A_312 = vector.shape_cast %broadcast_in_dim3A_305 : vector<64x500xf32> to vector<1x1x64x500xf32>
    tpu.vector_store %arg3[%swap3A_306, %swap3A_307, %swap3A_308, %swap3A_309], %swap3A_312 {strides = array<i32>} : memref<1x24x64x500xf32, #tpu.memory_space<vmem>>, vector<1x1x64x500xf32>,
    %slice3A_313 = vector.extract_strided_slice %get3A_301 {offsets = [64], sizes = [64], strides = [1]} : vector<128xf32> to vector<64xf32>
    %broadcast_in_dim3A_314 = vector.shape_cast %slice3A_313 : vector<64xf32> to vector<64x1xf32>
    %broadcast_in_dim3A_315 = vector.shape_cast %broadcast_in_dim3A_314 : vector<64x1xf32> to vector<64x1xf32>
    %broadcast_in_dim3A_316 = vector.broadcast %broadcast_in_dim3A_315 : vector<64x1xf32> to vector<64x500xf32>
    %swap3A_317 = arith.constant 0 : index
    %swap3A_318 = arith.constant 21 : index
    %swap3A_319 = arith.constant 0 : index
    %swap3A_320 = arith.constant 0 : index
    %swap3A_321 = vector.load %arg3[%swap3A_317, %swap3A_318, %swap3A_319, %swap3A_320] : memref<1x24x64x500xf32, #tpu.memory_space<vmem>>, vector<1x1x64x500xf32>
    %swap3A_322 = vector.shape_cast %swap3A_321 : vector<1x1x64x500xf32> to vector<64x500xf32>
    %swap3A_323 = vector.shape_cast %broadcast_in_dim3A_316 : vector<64x500xf32> to vector<1x1x64x500xf32>
    tpu.vector_store %arg3[%swap3A_317, %swap3A_318, %swap3A_319, %swap3A_320], %swap3A_323 {strides = array<i32>} : memref<1x24x64x500xf32, #tpu.memory_space<vmem>>, vector<1x1x64x500xf32>,
    %mul3A_324 = arith.constant 24 : i32
    %mul3A_325 = arith.muli %arg0, %mul3A_324 : i32
    %mul3A_326 = arith.constant 64 : i32
    %mul3A_327 = arith.muli %mul3A_325, %mul3A_326 : i32
    %add3A_328 = arith.constant 1408 : i32
    %add3A_329 = arith.addi %mul3A_327, %add3A_328 : i32
    %get3A_330 = arith.index_cast %add3A_329 : i32 to index
    %get3A_331 = vector.load %arg1[%get3A_330] : memref<18432xf32, #tpu.memory_space<vmem>>, vector<128xf32>
    %slice3A_332 = vector.extract_strided_slice %get3A_331 {offsets = [0], sizes = [64], strides = [1]} : vector<128xf32> to vector<64xf32>
    %broadcast_in_dim3A_333 = vector.shape_cast %slice3A_332 : vector<64xf32> to vector<64x1xf32>
    %broadcast_in_dim3A_334 = vector.shape_cast %broadcast_in_dim3A_333 : vector<64x1xf32> to vector<64x1xf32>
    %broadcast_in_dim3A_335 = vector.broadcast %broadcast_in_dim3A_334 : vector<64x1xf32> to vector<64x500xf32>
    %swap3A_336 = arith.constant 0 : index
    %swap3A_337 = arith.constant 22 : index
    %swap3A_338 = arith.constant 0 : index
    %swap3A_339 = arith.constant 0 : index
    %swap3A_340 = vector.load %arg3[%swap3A_336, %swap3A_337, %swap3A_338, %swap3A_339] : memref<1x24x64x500xf32, #tpu.memory_space<vmem>>, vector<1x1x64x500xf32>
    %swap3A_341 = vector.shape_cast %swap3A_340 : vector<1x1x64x500xf32> to vector<64x500xf32>
    %swap3A_342 = vector.shape_cast %broadcast_in_dim3A_335 : vector<64x500xf32> to vector<1x1x64x500xf32>
    tpu.vector_store %arg3[%swap3A_336, %swap3A_337, %swap3A_338, %swap3A_339], %swap3A_342 {strides = array<i32>} : memref<1x24x64x500xf32, #tpu.memory_space<vmem>>, vector<1x1x64x500xf32>,
    %slice3A_343 = vector.extract_strided_slice %get3A_331 {offsets = [64], sizes = [64], strides = [1]} : vector<128xf32> to vector<64xf32>
    %broadcast_in_dim3A_344 = vector.shape_cast %slice3A_343 : vector<64xf32> to vector<64x1xf32>
    %broadcast_in_dim3A_345 = vector.shape_cast %broadcast_in_dim3A_344 : vector<64x1xf32> to vector<64x1xf32>
    %broadcast_in_dim3A_346 = vector.broadcast %broadcast_in_dim3A_345 : vector<64x1xf32> to vector<64x500xf32>
    %swap3A_347 = arith.constant 0 : index
    %swap3A_348 = arith.constant 23 : index
    %swap3A_349 = arith.constant 0 : index
    %swap3A_350 = arith.constant 0 : index
    %swap3A_351 = vector.load %arg3[%swap3A_347, %swap3A_348, %swap3A_349, %swap3A_350] : memref<1x24x64x500xf32, #tpu.memory_space<vmem>>, vector<1x1x64x500xf32>
    %swap3A_352 = vector.shape_cast %swap3A_351 : vector<1x1x64x500xf32> to vector<64x500xf32>
    %swap3A_353 = vector.shape_cast %broadcast_in_dim3A_346 : vector<64x500xf32> to vector<1x1x64x500xf32>
    tpu.vector_store %arg3[%swap3A_347, %swap3A_348, %swap3A_349, %swap3A_350], %swap3A_353 {strides = array<i32>} : memref<1x24x64x500xf32, #tpu.memory_space<vmem>>, vector<1x1x64x500xf32>,
    return
  }
  func.func @transform_0(%arg0: i32) -> i32 {
    %c0_i32 = arith.constant 0 : i32
    %c0_i32_0 = arith.constant 0 : i32
    return %c0_i32 : i32
  }
  func.func @transform_2(%arg0: i32) -> (i32, i32, i32, i32) {
    %add3A = arith.constant 20 : i32
    %add3A_0 = arith.addi %add3A, %arg0 : i32
    %c0_i32 = arith.constant 0 : i32
    %c0_i32_1 = arith.constant 0 : i32
    %c0_i32_2 = arith.constant 0 : i32
    %c0_i32_3 = arith.constant 0 : i32
    return %add3A_0, %c0_i32, %c0_i32_1, %c0_i32_2 : i32, i32, i32, i32
  }
}

</mosaic_0001>

<sc_bundles>
// kernel: kernel.5.cloned.1.call-start
scs
__scs_entry_jumppad:
0x0: {  	(pc) =	sbr.rel $0x88, $3  }
0x1: {  	(tag) =	ssettag $0x0;
	lr =	simm.s32 $0x1  }
0x2: {  	[smem:$0x3F9F] =	sst lr;
	_ =	strace $0xD0000000  }
0x3: {  	_ = 	snop  }
0x4: {  	_ = 	snop  }
0x5: {  	_ = 	snop  }
0x6: {  	_ = 	snop  }
0x7: {  	_ = 	snop  }
__scs_overlays_trampoline_lowered:
0x8: {  	[smem:$0x3FAE] =	sst s0  }
0x9: {  	[smem:$0x3FAF] =	sst s1  }
0xa: {  	[smem:$0x3FB0] =	sst s2  }
0xb: {  	[smem:$0x3FB1] =	sst s3  }
0xc: {  	[smem:$0x3FB2] =	sst s4  }
0xd: {  	[smem:$0x3FB3] =	sst s5  }
0xe: {  	[smem:$0x3FB4] =	sst s6  }
0xf: {  	[smem:$0x3FB5] =	sst s7  }
0x10: {  	[smem:$0x3FB6] =	sst s8  }
0x11: {  	[smem:$0x3FB7] =	sst s9;
	s0 =	simm.s32 @!p0 $0x0  }
0x12: {  	s1 =	sld [smem:$0x3F9D];
	s0 =	simm.s32 @p0 $0x1  }
0x13: {  	[smem:$0x3FB8] =	sst s0;
	s0 =	simm.s32 @!p1 $0x0  }
0x14: {  	s2 =	sld [smem:$0x3F9C];
	s0 =	simm.s32 @p1 $0x1  }
0x15: {  	[smem:$0x3FB9] =	sst s0;
	s0 =	simm.s32 @!p2 $0x0  }
0x16: {  	s3 =	sld [smem:$0x3FDB];
	s0 =	simm.s32 @p2 $0x1  }
0x17: {  	s4 =	simm.s32 $0x1BF5;
	[smem:$0x3FBB] =	sst s0  }
0x18: {  	s0 =	sld [smem:$0x3F9E];
	_ =	swait.ge [sflag:s4], $0x0  }
0x19: {  	s7 =	sld [smem:$0x3F9F]  }
0x1a: {  	s8 =	sadd.s32 $0xFFFFE003, lr  }
0x1b: {  	s9 =	sadd.s32 $0xFFFFFEF7, lr;
	s5 =	simm.s32 $0xFFFFFFFF;
	p2 =	slt.u32 s8, $0xFFFFF086  }
0x1c: {  	p1 =	slt.u32 s9, $0xF7A;
	s5 =	simm.s32 @!p2 $0x0  }
0x1d: {  	s5 =	simm.s32 @p1 $0x1;
	p0 =	seq.s32 s7, s2  }
0x1e: {  	s7 =	smul.u32 @!p0 $0xF7A, s2;
	p2 =	seq.s32 @!p0 s5, $0x0  }
0x1f: {  	s9 =	smul.u32 $0xF7A, s1;
	s8 =	simm.s32 @!p0 $0x1BF5;
	p2 =	por !p2, p0  }
0x20: {  	[sflag:s8] =	ssyncset.s32 @!p0 $0xFFFFF086;
	s6 =	sadd.s32 @!p0 s3, s7;
	s7 =	simm.s32 @!p0 $0x108  }
0x21: {  	s3 =	sadd.s32 s3, s9;
	s6 =	sadd.s32 @!p0 $0x88, s6;
	s7 =	simm.s32 @p2 $0x1082  }
0x22: {  	[simem:s7], [sflag:s8] =	dma.local @!p0 [hbm:s6], $0xF7A  }
0x23: {  	s9 =	sor.u32 $0xD0000000, s2;
	s6 =	simm.s32 $0x108;
	_ =	swait.ge @!p0 [sflag:s8], $0x0  }
0x24: {  	s3 =	sadd.s32 $0x88, s3;
	s6 =	simm.s32 @!p1 $0x1082;
	[sflag:s4] =	ssyncset.s32 $0xFFFFF086  }
0x25: {  	[simem:s6], [sflag:s4] =	dma.local [hbm:s3], $0xF7A  }
0x26: {  	[smem:$0x3F9F] =	sst s1;
	(tag) =	ssettag s2;
	_ =	strace s9  }
0x27: {  	s1 =	sld [smem:$0x3FAF]  }
0x28: {  	s2 =	sld [smem:$0x3FB0]  }
0x29: {  	s4 =	sld [smem:$0x3FB2]  }
0x2a: {  	p0 =	seq.s32 s5, $0x0;
	s5 =	sld [smem:$0x3FB3]  }
0x2b: {  	s6 =	sld [smem:$0x3FB4]  }
0x2c: {  	s7 =	sld [smem:$0x3FB5]  }
0x2d: {  	s3 =	simm.s32 $0x108;
	s8 =	sld [smem:$0x3FB6]  }
0x2e: {  	s3 =	simm.s32 @!p0 $0x1082;
	s9 =	sld [smem:$0x3FB7]  }
0x2f: {  	lr =	sadd.s32 s0, s3;
	s0 =	sld [smem:$0x3FAE]  }
0x30: {  	s3 =	sld [smem:$0x3FB1]  }
0x31: {  	[smem:$0x3FBA] =	sst s10  }
0x32: {  	s10 =	sld [smem:$0x3FB8];
	_ =	sdelay $0x3  }
0x33: {  	p0 =	seq.s32 s10, $0x1;
	s10 =	sld [smem:$0x3FBA];
	_ =	sdelay $0x3  }
0x34: {  	[smem:$0x3FBA] =	sst s10  }
0x35: {  	s10 =	sld [smem:$0x3FB9];
	_ =	sdelay $0x3  }
0x36: {  	p1 =	seq.s32 s10, $0x1;
	s10 =	sld [smem:$0x3FBA];
	_ =	sdelay $0x3  }
0x37: {  	[smem:$0x3FBA] =	sst s10  }
0x38: {  	s10 =	sld [smem:$0x3FBB]  }
0x39: {  	_ = 	snop;
	(pc) =	sbr.ind lr, $3  }
0x3a: {  	_ = 	snop  }
0x3b: {  	_ = 	snop  }
0x3c: {  	p2 =	seq.s32 s10, $0x1;
	s10 =	sld [smem:$0x3FBA]  }
0x3d: {  	_ =	shalt  }
0x3e: {  	_ =	shalt  }
0x3f: {  	_ =	shalt  }
0x40: {  	_ =	shalt  }
0x41: {  	_ =	shalt  }
0x42: {  	_ =	shalt  }
0x43: {  	_ =	shalt  }
0x44: {  	_ =	shalt  }
0x45: {  	_ =	shalt  }
0x46: {  	_ =	shalt  }
0x47: {  	_ =	shalt  }
0x48: {  	_ =	shalt  }
0x49: {  	_ =	shalt  }
0x4a: {  	_ =	shalt  }
0x4b: {  	_ =	shalt  }
0x4c: {  	_ =	shalt  }
0x4d: {  	_ =	shalt  }
0x4e: {  	_ =	shalt  }
0x4f: {  	_ =	shalt  }
0x50: {  	_ =	shalt  }
0x51: {  	_ =	shalt  }
0x52: {  	_ =	shalt  }
0x53: {  	_ =	shalt  }
0x54: {  	_ =	shalt  }
0x55: {  	_ =	shalt  }
0x56: {  	_ =	shalt  }
0x57: {  	_ =	shalt  }
0x58: {  	_ =	shalt  }
0x59: {  	_ =	shalt  }
0x5a: {  	_ =	shalt  }
0x5b: {  	_ =	shalt  }
0x5c: {  	_ =	shalt  }
0x5d: {  	_ =	shalt  }
0x5e: {  	_ =	shalt  }
0x5f: {  	_ =	shalt  }
0x60: {  	_ =	shalt  }
0x61: {  	_ =	shalt  }
0x62: {  	_ =	shalt  }
0x63: {  	_ =	shalt  }
0x64: {  	_ =	shalt  }
0x65: {  	_ =	shalt  }
0x66: {  	_ =	shalt  }
0x67: {  	_ =	shalt  }
0x68: {  	_ =	shalt  }
0x69: {  	_ =	shalt  }
0x6a: {  	_ =	shalt  }
0x6b: {  	_ =	shalt  }
0x6c: {  	_ =	shalt  }
0x6d: {  	_ =	shalt  }
0x6e: {  	_ =	shalt  }
0x6f: {  	_ =	shalt  }
0x70: {  	_ =	shalt  }
0x71: {  	_ =	shalt  }
0x72: {  	_ =	shalt  }
0x73: {  	_ =	shalt  }
0x74: {  	_ =	shalt  }
0x75: {  	_ =	shalt  }
0x76: {  	_ =	shalt  }
0x77: {  	_ =	shalt  }
0x78: {  	_ =	shalt  }
0x79: {  	_ =	shalt  }
0x7a: {  	_ =	shalt  }
0x7b: {  	_ =	shalt  }
0x7c: {  	_ =	shalt  }
0x7d: {  	_ =	shalt  }
0x7e: {  	_ =	shalt  }
0x7f: {  	_ =	shalt  }
0x80: {  	_ =	shalt  }
0x81: {  	_ =	shalt  }
0x82: {  	_ =	shalt  }
0x83: {  	_ =	shalt  }
0x84: {  	_ =	shalt  }
0x85: {  	_ =	shalt  }
0x86: {  	_ =	shalt  }
0x87: {  	_ =	shalt  }
.Lfunc_end0:
.L_simem_size_0:
called_computation_lowered:
.L_overlay_start_0:
0x88: {  	s2 =	sld [smem:$0x3FD9]  }
0x89: {  	s3 =	sld [smem:$0x3FFE];
	_ =	sdelay $0x1  }
0x8a: {  	s1 =	srdreg.scid  }
0x8b: {  	s0 =	sand.u32 $0x1, s1  }
0x8c: {  	s16 =	sshll.u32 s0, $0xA;
	s2 =	sadd.s32 s3, s2  }
0x8d: {  	s2 =	sadd.s32 s2, s16  }
0x8e: {  	[smem:$0x3FC6] =	sst s2  }
0x8f: {  	_ = 	snop  }
0x90: {  	(tm) =	ssettm $0x1  }
0x91: {  	s17 =	sld [smem:$0x3FFB];
	_ =	sdelay $0x3  }
0x92: {  	_ =	strace s17  }
0x93: {  	s2 =	sld [smem:$0x3FFC];
	_ =	sdelay $0x3  }
0x94: {  	_ =	strace s2  }
0x95: {  	s2 =	sld [smem:$0x3FFD];
	_ =	sdelay $0x3  }
0x96: {  	_ =	strace s2  }
0x97: {  	_ =	strace $0x8FFFFFFF  }
0x98: {  	s18 =	sld [smem:$0x3FDB];
	_ =	sdelay $0x1  }
0x99: {  	s19 =	simm.s32 $_scs_section_size  }
0x9a: {  	s4 =	simm.s32 $_size__tile_overlayer_lowered;
	s5 =	simm.s32 $_tile_overlayer_lowered  }
0x9b: {  	s22 =	simm.s32 $0x1BFF;
	s21 =	sshll.u32 s5, $0x1;
	s2 =	sadd.s32 s19, s18  }
0x9c: {  	s6 =	simm.s32 $0x0;
	s20 =	sshll.u32 s4, $0x1;
	s4 =	sadd.s32 s21, s2  }
0x9d: {  	[timem:s6], [sflag:s22] =	dma.local [hbm:s4], s20  }
0x9e: {  	_ =	swait.ge [sflag:s22], s20  }
0x9f: {  	s3 =	ssub.s32 $0x0, s20;
	[sflag:s22] =	ssyncset.done $0x0  }
0xa0: {  	[sflag:s22] =	ssyncadd.s32 s3;
	_ =	sdelay $0x1  }
0xa1: {  	s23 =	simm.s32 $0x1B8B  }
0xa2: {  	_ =	swait.ge [sflag:s23], $0x1  }
0xa3: {  	[sflag:s23] =	ssyncset.done $0x0  }
0xa4: {  	s25 =	simm.s32 $0x1B8E;
	s24 =	sld [smem:$0x3FFE];
	[sflag:s23] =	ssyncadd.s32 $0xFFFFFFFF  }
0xa5: {  	s26 =	simm.s32 $execute0_lowered;
	[smem:$0x3FD2] =	sst s25  }
0xa6: {  	s4 =	sshll.u32 s26, $0x1;
	_ =	strace $0x80000046;
	[dreg:$0x1] =	wrdreg $0xFFFFFFFF  }
0xa7: {  	s28 =	simm.s32 $_size_execute0_lowered;
	s2 =	sadd.s32 s2, s4;
	[dreg:$0x0] =	wrdreg $0x0  }
0xa8: {  	s4 =	sshll.u32 s28, $0x1;
	[dreg:$0x2] =	wrdreg s2  }
0xa9: {  	[dreg:$0x3] =	wrdreg s4  }
0xaa: {  	[dreg:$0x4] =	wrdreg $0xC0  }
0xab: {  	_ =	task [dreg:s6], $0x5FFFF  }
0xac: {  	[dreg:$0x1] =	wrdreg $0xFFFFFFFF  }
0xad: {  	[dreg:$0x0] =	wrdreg $0x60  }
0xae: {  	[dreg:$0x2] =	wrdreg s24  }
0xaf: {  	[dreg:$0x3] =	wrdreg $0x9  }
0xb0: {  	_ =	task.clear_ibuf [dreg:s6], $0x4FFFF;
	_ =	strace $0x90000046  }
0xb1: {  	s29 =	simm.s32 $0x9;
	_ =	strace $0x80000048  }
0xb2: {  	_ =	swait.ge [sflag:s29], $0x1  }
0xb3: {  	[sflag:s29] =	ssyncadd.s32 $0xFFFFFFFF  }
0xb4: {  	_ =	strace $0x90000048  }
0xb5: {  	_ =	sfence  }
0xb6: {  	s30 =	sld [smem:$0x0];
	_ =	sdelay $0x2  }
0xb7: {  	s31 =	sshll.u32 s1, $0xD;
	s1 =	sshrl.u32 s1, $0x2  }
0xb8: {  	s3 =	sand.u32 $0x4000, s31;
	s1 =	sadd.s32 s1, s30  }
0xb9: {  	s0 =	sor.u32 s3, s0;
	s1 =	sshll.u32 s1, $0x11  }
0xba: {  	s0 =	sor.u32 s1, s0  }
0xbb: {  	s0 =	sadd.s32 $0x8F2B, s0  }
0xbc: {  	[sflag:s0] =	ssyncadd.remote.s32 $0x1  }
0xbd: {  	_ =	sfence.sel $0xFFFF  }
0xbe: {  	[dreg:$0x0] =	wrdreg $0xFFFFFFFF;
	(pc) =	sbr.abs _section_cstart, $3  }
0xbf: {  	[dreg:$0x1] =	wrdreg $0xFFFFFFFF  }
0xc0: {  	_ =	task.clear_ibuf [dreg:s6], $0x2FFFF;
	_ =	strace $0x9FFFFFFF  }
0xc1: {  	(tm) =	ssettm $0x7FFFFFFF  }
tec
execute0_lowered:
.L_overlay_start_1:
0x0: {  	(tag) =	ssettag $0x1  }
0x1: {  	s1 =	stileid.u32  }
0x2: {  	p0 =	sgt.u32 s1, $0x5  }
.Ltmp0:
0x3: {  	_ = 	snop;
	(pc) =	sbr.rel @p0 .LBB2_4-.Ltmp0, $4  }
0x4: {  	_ = 	snop  }
0x5: {  	s8 =	rddreg [dreg:$0x0];
	s2 =	simm.s32 $0x0  }
0x6: {  	[smem:$0x7FF] =	sst s2  }
0x7: {  	s0 =	rddreg [dreg:$0x1];
	_ =	strace $0x80000047  }
0x8: {  	s3 =	srdreg.scid  }
0x9: {  	s29 =	sshll.u32 s1, $0x1;
	s6 =	sand.u32 $0x1, s3  }
0xa: {  	s7 =	sor.u32 s6, s29  }
0xb: {  	s3 =	smul.u32 $0x18, s7;
	_ =	sdelay $0x1  }
0xc: {  	s4 =	sadd.s32 $0x800, s8;
	s3 =	sshrl.u32 s3, $0x3  }
0xd: {  	s5 =	sadd.s32 $0xA00, s8;
	s10 =	ssub.s32 $0x2, s6;
	s3 =	sadd.s32 s4, s3  }
0xe: {  	s6 =	simm.s32 $0x18;
	s4 =	sadd.s32 $0x3C, s3;
	s3 =	simm.s32 $0x2  }
0xf: {  	[tilespmem:s2], [sflag:$0x2] =	stream.linear.gather [hbm4b:s4+s2], $0x18, $0x38;
	[tilespmem:$0x618] =	vst v63  }
0x10: {  	s9 =	smul.u32 $0xC0, s7;
	s11 =	sshrl.u32 s10, $0x1;
	_ =	swait.ge [sflag:s3], $0x18  }
0x11: {  	s7 =	simm.s32 $0x1;
	s31 =	ssub.s32 s10, s11;
	[sflag:s3] =	ssyncset.done $0x0  }
0x12: {  	s30 =	sadd.s32 s9, s8;
	s9 =	smax.u32 s31, $0x1;
	[sflag:s3] =	ssyncadd.s32 $0xFFFFFFE8  }
0x13: {  	[tilespmem:s6], [sflag:$0x1] =	stream.indirect.gather [hbm4b:s5+s6], $0x40, s2, s6, $0xb8;
	[tilespmem:$0x618] =	vst v63  }
0x14: {  	p0 =	sne.s32 s9, $0x1;
	_ =	swait.ge [sflag:s7], $0x600  }
.Ltmp1:
0x15: {  	[sflag:s7] =	ssyncset.done $0x0;
	(pc) =	sbr.rel @!p0 .LBB2_3-.Ltmp1, $4  }
0x16: {  	s8 =	sadd.s32 $0xE00, s30;
	[sflag:s7] =	ssyncadd.s32 $0xFFFFFA00  }
0x17: {  	[hbm4b:s8+s2] =	stream.linear.scatter [tilespmem:s6], [sflag:$0x2], $0x600, $0x38;
	[tilespmem:$0x618] =	vst v63  }
0x18: {  	_ =	swait.ge [sflag:s3], $0x600  }
0x19: {  	s9 =	sadd.s32 $0xFFFFFFFF, s9;
	[sflag:s3] =	ssyncset.done $0x0  }
.LBB2_2:
0x1a: {  	p0 =	sne.s32 s9, $0x1;
	s9 =	sadd.s32 $0xFFFFFFFF, s9;
	[sflag:s3] =	ssyncadd.s32 $0xFFFFFA00  }
0x1b: {  	[tilespmem:s2], [sflag:$0x2] =	stream.linear.gather [hbm4b:s4+s2], $0x18, $0x38;
	[tilespmem:$0x618] =	vst v63  }
0x1c: {  	_ =	swait.ge [sflag:s3], $0x18  }
0x1d: {  	[sflag:s3] =	ssyncset.done $0x0  }
0x1e: {  	[sflag:s3] =	ssyncadd.s32 $0xFFFFFFE8  }
0x1f: {  	[tilespmem:s6], [sflag:$0x1] =	stream.indirect.gather [hbm4b:s5+s6], $0x40, s2, s6, $0xb8;
	[tilespmem:$0x618] =	vst v63  }
0x20: {  	_ =	swait.ge [sflag:s7], $0x600  }
.Ltmp2:
0x21: {  	[sflag:s7] =	ssyncset.done $0x0;
	(pc) =	sbr.rel @p0 .LBB2_2-.Ltmp2, $4  }
0x22: {  	[sflag:s7] =	ssyncadd.s32 $0xFFFFFA00  }
0x23: {  	[hbm4b:s8+s2] =	stream.linear.scatter [tilespmem:s6], [sflag:$0x2], $0x600, $0x38;
	[tilespmem:$0x618] =	vst v63  }
0x24: {  	_ =	swait.ge [sflag:s3], $0x600  }
0x25: {  	[sflag:s3] =	ssyncset.done $0x0  }
.LBB2_3:
0x26: {  	[sflag:s3] =	ssyncadd.s32 $0xFFFFFA00  }
.LBB2_4:
0x27: {  	_ =	sfence.sel $0x180000  }
0x28: {  	[bflag:$0x0] =	sbarrier.arrive $0xFFFF  }
0x29: {  	p0 =	sne.s32 s1, $0x0;
	_ =	strace $0x90000047  }
0x2a: {  	s0 =	sadd.s32 @!p0 $0x100000, s0;
	[bflag:$0x2] =	sbarrier.arrive $0xFFFF  }
0x2b: {  	[sflag:s0] =	ssyncadd.tile.s32 @!p0 $0x1;
	_ =	shalt  }
.Lfunc_end2:
_tile_overlayer_lowered:
.L_overlay_start_2:
0x2c: {  	(tag) =	ssettag $0x2  }
0x2d: {  	s0 =	rddreg [dreg:$0x0];
	s2 =	stileid.u32  }
0x2e: {  	s1 =	rddreg [dreg:$0x1];
	p0 =	sne.s32 s2, $0x0  }
0x2f: {  	s3 =	rddreg [dreg:$0x2];
	[bflag:$0x3] =	sbarrier.arrive $0xFFFF;
	s2 =	simm.s32 @!p0 $0x1C02  }
0x30: {  	[timem:s3], [sflag:s2] =	dma.local @!p0 [hbm:s0], s1  }
0x31: {  	s0 =	simm.s32 @!p0 $0x2  }
0x32: {  	_ =	swait.ge @!p0 [sflag:s0], s1  }
0x33: {  	s1 =	ssub.s32 @!p0 $0x0, s1;
	[sflag:s0] =	ssyncset.done @!p0 $0x0  }
0x34: {  	[sflag:s0] =	ssyncadd.s32 @!p0 s1  }
0x35: {  	[bflag:$0x3] =	sbarrier.arrive $0xFFFF  }
0x36: {  	_ =	shalt  }

</sc_bundles>
